<compile_context>
chip_gen: v7x
topology: tpu7x:2x2x1
jax: 0.10.2.dev20260603
libtpu: 0.0.44.dev20260713+nightly
codegen_flags: <defaults>
</compile_context>

<pallas_src>
import functools

import jax
import jax.numpy as jnp
from jax import lax
from jax.experimental import pallas as pl
from jax.experimental.pallas import tpu as pltpu
from jax.experimental.pallas import tpu_sc as plsc

_T, _B, _D = 2048, 16, 1024
_T2 = _T // 2
_NC, _NS, _L = 2, 16, 16
_NW = _NC * _NS
_BLK = 16
_NBLK = _T2 // _BLK
_N = _NBLK * _B // _NW


@functools.partial(
    pl.kernel,
    out_type=jax.ShapeDtypeStruct((_T2, _B, 2 * _D), jnp.float32),
    mesh=plsc.VectorSubcoreMesh(core_axis_name="c", subcore_axis_name="s"),
    scratch_types=[
        pltpu.VMEM((_L,), jnp.int32),
        pltpu.VMEM((_B, _L), jnp.int32),
        pltpu.VMEM((2, 2, _L), jnp.int32),
        pltpu.VMEM((2, _BLK, 2 * _D), jnp.float32),
        pltpu.VMEM((_BLK, 2 * _D), jnp.float32),
        pltpu.SemaphoreType.DMA,
        pltpu.SemaphoreType.DMA,
        pltpu.SemaphoreType.DMA,
        pltpu.SemaphoreType.DMA,
    ],
)
def _pool_sc(x_hbm, lens_hbm, zeros_hbm, out_hbm,
             lens0_v, lens_v, idx_v, buf_v, zbuf_v, gsem0, gsem1, wsem0, wsem1):
    wid = lax.axis_index("s") * _NC + lax.axis_index("c")
    i_vec = lax.iota(jnp.int32, _L)
    gsems = (gsem0, gsem1)
    wsems = (wsem0, wsem1)

    pltpu.sync_copy(lens_hbm, lens0_v)
    pltpu.sync_copy(zeros_hbm, zbuf_v)
    lens_reg = lens0_v[...]
    for bb in range(_B):
        lens_v[bb] = jnp.zeros((_L,), jnp.int32) + lens_reg[bb]

    def item(k):
        first = wid * _BLK
        second = (_NBLK - 1 - wid) * _BLK
        half = k >> 4
        b = k & (_B - 1)
        return jnp.where(half == 0, first, second), b

    def item_valid(k):
        t2_0, b = item(k)
        newlens = lens_v[b] >> 1
        return t2_0 < newlens[0]

    def fill_idx(k, slot):
        t2_0, b = item(k)
        lens_b = lens_v[b]
        t2_vec = t2_0 + i_vec
        masked = (lens_b >> 1) <= t2_vec
        for j in range(2):
            t_nat = 2 * t2_vec + j
            t_src = jnp.where(masked, jnp.maximum(t_nat, lens_b), t_nat)
            idx_v[slot, j] = t_src * _B + b

    def gathers(slot):
        return (
            pltpu.make_async_copy(
                x_hbm.at[idx_v.at[slot, 0]],
                buf_v.at[slot, :, pl.ds(0, _D)], gsems[slot]),
            pltpu.make_async_copy(
                x_hbm.at[idx_v.at[slot, 1]],
                buf_v.at[slot, :, pl.ds(_D, _D)], gsems[slot]),
        )

    def write(k, slot, valid):
        t2_0, b = item(k)
        src = buf_v.at[slot] if valid else zbuf_v
        return pltpu.make_async_copy(
            src, out_hbm.at[pl.ds(t2_0, _BLK), b], wsems[slot])

    def start_item(k, slot):
        @pl.when(item_valid(k))
        def _():
            fill_idx(k, slot)
            for g in gathers(slot):
                g.start()

    def finish_item(k, slot):
        valid = item_valid(k)

        @pl.when(valid)
        def _():
            for g in gathers(slot):
                g.wait()
            write(k, slot, True).start()

        @pl.when(jnp.logical_not(valid))
        def _():
            write(k, slot, False).start()

    start_item(0, 0)

    @pl.loop(0, _N, step=2)
    def _pair(g):
        for p in range(2):
            k = g + p
            slot, nslot = p, 1 - p

            def prefetch():
                @pl.when(k >= 1)
                def _drain():
                    write(k - 1, nslot, True).wait()

                start_item(k + 1, nslot)

            if p == 0:
                prefetch()
            else:
                pl.when(k + 1 < _N)(prefetch)

            finish_item(k, slot)

    write(_N - 2, 0, True).wait()
    write(_N - 1, 1, True).wait()


def kernel(x, lens):
    T, B, D = x.shape
    zeros = jnp.zeros((_BLK, 2 * D), jnp.float32)
    out = _pool_sc(x.reshape(T * B, D), lens.astype(jnp.int32), zeros)
    return out, lens // 2

# --- scband reference (transcript-rebuilt; emitter-appended) ---
"""Pipeline reference for scband-sequence-pooling-50826642981467 (READ-ONLY COPY).

The authoritative reference and input builder live on the scoring server;
editing this copy changes nothing except your own understanding.
"""

import jax, jax.numpy as jnp
import numpy as np


def setup_inputs(seed: int = 0) -> dict:
    key = jax.random.key(seed)
    T, B, D = 2048, 16, 1024
    kx, kl = jax.random.split(key)
    x = jax.random.normal(kx, (T, B, D), dtype=jnp.float32)
    lens = jax.random.randint(kl, (B,), 2, T + 1, dtype=jnp.int64 if jax.config.jax_enable_x64 else jnp.int32)
    # pack_padded_sequence requires descending lengths
    lens = jnp.sort(lens)[::-1]
    # pad_packed_sequence semantics: positions >= lens[b] are zero
    t = jnp.arange(T)[:, None]
    x = x * (t < lens[None, :])[:, :, None].astype(x.dtype)
    return {"x": x, "lens": lens}


def reference(x, lens):
    # Faithful translation of SequencePooling.forward:
    #   x, lens = pad_packed_sequence(packed)   -> x: [T, B, D] zero-padded
    #   x = x.transpose(1, 0)                    -> [B, T, D]
    #   if T odd: drop last timestep
    #   reshape to [B, T//2, 2D] (concat adjacent timesteps)
    #   transpose back to [T//2, B, 2D]
    #   pack_padded_sequence(x, lens // 2)       -> emulated by masking beyond new lens
    T, B, D = x.shape
    Te = T - (T % 2)
    xt = jnp.transpose(x[:Te], (1, 0, 2))          # [B, Te, D]
    xp = xt.reshape(B, Te // 2, 2 * D)              # [B, Te//2, 2D]
    xp = jnp.transpose(xp, (1, 0, 2))               # [Te//2, B, 2D]
    new_lens = lens // 2
    t = jnp.arange(Te // 2)[:, None]
    mask = (t < new_lens[None, :])[:, :, None].astype(xp.dtype)
    out = xp * mask
    return out, new_lens

if __name__ == "__main__":
    import jax
    _d = setup_inputs()
    print(jax.jit(kernel)(*tuple(_d.values())))

</pallas_src>

<mosaic_0001>
#map = affine_map<(d0, d1) -> (0, 0)>
#map1 = affine_map<(d0, d1) -> (0)>
#map2 = affine_map<(d0, d1) -> (0, 0, 0)>
module attributes {stable_mosaic.version = 14 : i64} {
  func.func @_pool_sc(%arg0: i32, %arg1: i32, %arg2: memref<32768x1024xf32, #tpu.memory_space<hbm>>, %arg3: memref<16xi32, #tpu.memory_space<hbm>>, %arg4: memref<16x2048xf32, #tpu.memory_space<hbm>>, %arg5: memref<1024x16x2048xf32, #tpu.memory_space<hbm>>, %arg6: memref<16xi32, #tpu.memory_space<vmem>>, %arg7: memref<16x16xi32, #tpu.memory_space<vmem>>, %arg8: memref<2x2x16xi32, #tpu.memory_space<vmem>>, %arg9: memref<2x16x2048xf32, #tpu.memory_space<vmem>>, %arg10: memref<16x2048xf32, #tpu.memory_space<vmem>>, %arg11: memref<!tpu.dma_semaphore, #tpu.memory_space<semaphore_mem>>, %arg12: memref<!tpu.dma_semaphore, #tpu.memory_space<semaphore_mem>>, %arg13: memref<!tpu.dma_semaphore, #tpu.memory_space<semaphore_mem>>, %arg14: memref<!tpu.dma_semaphore, #tpu.memory_space<semaphore_mem>>) attributes {dimension_semantics = [#tpu.dimension_semantics<core_parallel>, #tpu.dimension_semantics<subcore_parallel>], iteration_bounds = array<i64: 2, 16>, scalar_prefetch = 0 : i64, scratch_operands = 9 : i64, tpu.core_type = #tpu.core_type<sc_vector_subcore>, window_params = [{transform_indices = #map}, {transform_indices = #map1}, {transform_indices = #map}, {transform_indices = #map2}]} {
    %mul3A = arith.constant 2 : i32
    %mul3A_0 = arith.muli %arg1, %mul3A : i32
    %add3A = arith.addi %mul3A_0, %arg0 : i32
    %iota3A = tpu.iota {dimensions = array<i32: 0>} : vector<16xi32>
    "tpu.region"() ({
      %run_scoped3A = tpu.sem_alloc : memref<!tpu.dma_semaphore, #tpu.memory_space<semaphore_mem>>
      tpu.enqueue_dma source(%arg3 : memref<16xi32, #tpu.memory_space<hbm>>) target(%arg6 : memref<16xi32, #tpu.memory_space<vmem>>) target_semaphore(%run_scoped3A : memref<!tpu.dma_semaphore, #tpu.memory_space<semaphore_mem>>)
      tpu.wait_dma2 semaphore(%run_scoped3A : memref<!tpu.dma_semaphore, #tpu.memory_space<semaphore_mem>>) src(%arg3 : memref<16xi32, #tpu.memory_space<hbm>>) dst(%arg6 : memref<16xi32, #tpu.memory_space<vmem>>)
      tpu.yield
    }) : () -> ()
    "tpu.region"() ({
      %run_scoped3A = tpu.sem_alloc : memref<!tpu.dma_semaphore, #tpu.memory_space<semaphore_mem>>
      tpu.enqueue_dma source(%arg4 : memref<16x2048xf32, #tpu.memory_space<hbm>>) target(%arg10 : memref<16x2048xf32, #tpu.memory_space<vmem>>) target_semaphore(%run_scoped3A : memref<!tpu.dma_semaphore, #tpu.memory_space<semaphore_mem>>)
      tpu.wait_dma2 semaphore(%run_scoped3A : memref<!tpu.dma_semaphore, #tpu.memory_space<semaphore_mem>>) src(%arg4 : memref<16x2048xf32, #tpu.memory_space<hbm>>) dst(%arg10 : memref<16x2048xf32, #tpu.memory_space<vmem>>)
      tpu.yield
    }) : () -> ()
    %get3A = arith.constant 0 : index
    %get3A_1 = tpu.vector_load %arg6[%get3A] {strides = array<i32>} : memref<16xi32, #tpu.memory_space<vmem>>, vector<16xi32>,
    %get3A_2 = vector.shape_cast %get3A_1 : vector<16xi32> to vector<16xi32>
    %broadcast_in_dim3A = arith.constant 0 : i32
    %broadcast_in_dim3A_3 = vector.broadcast %broadcast_in_dim3A : i32 to vector<16xi32>
    %slice3A = vector.extract_strided_slice %get3A_2 {offsets = [0], sizes = [1], strides = [1]} : vector<16xi32> to vector<1xi32>
    %squeeze3A = vector.extract %slice3A[0] : i32 from vector<1xi32>
    %add3A_4 = vector.broadcast %squeeze3A : i32 to vector<16xi32>
    %add3A_5 = arith.addi %broadcast_in_dim3A_3, %add3A_4 : vector<16xi32>
    %swap3A = arith.constant 0 : i32
    %swap3A_6 = arith.index_cast %swap3A : i32 to index
    %swap3A_7 = arith.constant 0 : index
    %swap3A_8 = tpu.vector_load %arg7[%swap3A_6, %swap3A_7] {strides = array<i32>} : memref<16x16xi32, #tpu.memory_space<vmem>>, vector<1x16xi32>,
    %swap3A_9 = vector.shape_cast %swap3A_8 : vector<1x16xi32> to vector<16xi32>
    %swap3A_10 = vector.shape_cast %add3A_5 : vector<16xi32> to vector<1x16xi32>
    tpu.vector_store %arg7[%swap3A_6, %swap3A_7], %swap3A_10 {strides = array<i32>} : memref<16x16xi32, #tpu.memory_space<vmem>>, vector<1x16xi32>,
    %broadcast_in_dim3A_11 = arith.constant 0 : i32
    %broadcast_in_dim3A_12 = vector.broadcast %broadcast_in_dim3A_11 : i32 to vector<16xi32>
    %slice3A_13 = vector.extract_strided_slice %get3A_2 {offsets = [1], sizes = [1], strides = [1]} : vector<16xi32> to vector<1xi32>
    %squeeze3A_14 = vector.extract %slice3A_13[0] : i32 from vector<1xi32>
    %add3A_15 = vector.broadcast %squeeze3A_14 : i32 to vector<16xi32>
    %add3A_16 = arith.addi %broadcast_in_dim3A_12, %add3A_15 : vector<16xi32>
    %swap3A_17 = arith.constant 1 : i32
    %swap3A_18 = arith.index_cast %swap3A_17 : i32 to index
    %swap3A_19 = arith.constant 0 : index
    %swap3A_20 = tpu.vector_load %arg7[%swap3A_18, %swap3A_19] {strides = array<i32>} : memref<16x16xi32, #tpu.memory_space<vmem>>, vector<1x16xi32>,
    %swap3A_21 = vector.shape_cast %swap3A_20 : vector<1x16xi32> to vector<16xi32>
    %swap3A_22 = vector.shape_cast %add3A_16 : vector<16xi32> to vector<1x16xi32>
    tpu.vector_store %arg7[%swap3A_18, %swap3A_19], %swap3A_22 {strides = array<i32>} : memref<16x16xi32, #tpu.memory_space<vmem>>, vector<1x16xi32>,
    %broadcast_in_dim3A_23 = arith.constant 0 : i32
    %broadcast_in_dim3A_24 = vector.broadcast %broadcast_in_dim3A_23 : i32 to vector<16xi32>
    %slice3A_25 = vector.extract_strided_slice %get3A_2 {offsets = [2], sizes = [1], strides = [1]} : vector<16xi32> to vector<1xi32>
    %squeeze3A_26 = vector.extract %slice3A_25[0] : i32 from vector<1xi32>
    %add3A_27 = vector.broadcast %squeeze3A_26 : i32 to vector<16xi32>
    %add3A_28 = arith.addi %broadcast_in_dim3A_24, %add3A_27 : vector<16xi32>
    %swap3A_29 = arith.constant 2 : i32
    %swap3A_30 = arith.index_cast %swap3A_29 : i32 to index
    %swap3A_31 = arith.constant 0 : index
    %swap3A_32 = tpu.vector_load %arg7[%swap3A_30, %swap3A_31] {strides = array<i32>} : memref<16x16xi32, #tpu.memory_space<vmem>>, vector<1x16xi32>,
    %swap3A_33 = vector.shape_cast %swap3A_32 : vector<1x16xi32> to vector<16xi32>
    %swap3A_34 = vector.shape_cast %add3A_28 : vector<16xi32> to vector<1x16xi32>
    tpu.vector_store %arg7[%swap3A_30, %swap3A_31], %swap3A_34 {strides = array<i32>} : memref<16x16xi32, #tpu.memory_space<vmem>>, vector<1x16xi32>,
    %broadcast_in_dim3A_35 = arith.constant 0 : i32
    %broadcast_in_dim3A_36 = vector.broadcast %broadcast_in_dim3A_35 : i32 to vector<16xi32>
    %slice3A_37 = vector.extract_strided_slice %get3A_2 {offsets = [3], sizes = [1], strides = [1]} : vector<16xi32> to vector<1xi32>
    %squeeze3A_38 = vector.extract %slice3A_37[0] : i32 from vector<1xi32>
    %add3A_39 = vector.broadcast %squeeze3A_38 : i32 to vector<16xi32>
    %add3A_40 = arith.addi %broadcast_in_dim3A_36, %add3A_39 : vector<16xi32>
    %swap3A_41 = arith.constant 3 : i32
    %swap3A_42 = arith.index_cast %swap3A_41 : i32 to index
    %swap3A_43 = arith.constant 0 : index
    %swap3A_44 = tpu.vector_load %arg7[%swap3A_42, %swap3A_43] {strides = array<i32>} : memref<16x16xi32, #tpu.memory_space<vmem>>, vector<1x16xi32>,
    %swap3A_45 = vector.shape_cast %swap3A_44 : vector<1x16xi32> to vector<16xi32>
    %swap3A_46 = vector.shape_cast %add3A_40 : vector<16xi32> to vector<1x16xi32>
    tpu.vector_store %arg7[%swap3A_42, %swap3A_43], %swap3A_46 {strides = array<i32>} : memref<16x16xi32, #tpu.memory_space<vmem>>, vector<1x16xi32>,
    %broadcast_in_dim3A_47 = arith.constant 0 : i32
    %broadcast_in_dim3A_48 = vector.broadcast %broadcast_in_dim3A_47 : i32 to vector<16xi32>
    %slice3A_49 = vector.extract_strided_slice %get3A_2 {offsets = [4], sizes = [1], strides = [1]} : vector<16xi32> to vector<1xi32>
    %squeeze3A_50 = vector.extract %slice3A_49[0] : i32 from vector<1xi32>
    %add3A_51 = vector.broadcast %squeeze3A_50 : i32 to vector<16xi32>
    %add3A_52 = arith.addi %broadcast_in_dim3A_48, %add3A_51 : vector<16xi32>
    %swap3A_53 = arith.constant 4 : i32
    %swap3A_54 = arith.index_cast %swap3A_53 : i32 to index
    %swap3A_55 = arith.constant 0 : index
    %swap3A_56 = tpu.vector_load %arg7[%swap3A_54, %swap3A_55] {strides = array<i32>} : memref<16x16xi32, #tpu.memory_space<vmem>>, vector<1x16xi32>,
    %swap3A_57 = vector.shape_cast %swap3A_56 : vector<1x16xi32> to vector<16xi32>
    %swap3A_58 = vector.shape_cast %add3A_52 : vector<16xi32> to vector<1x16xi32>
    tpu.vector_store %arg7[%swap3A_54, %swap3A_55], %swap3A_58 {strides = array<i32>} : memref<16x16xi32, #tpu.memory_space<vmem>>, vector<1x16xi32>,
    %broadcast_in_dim3A_59 = arith.constant 0 : i32
    %broadcast_in_dim3A_60 = vector.broadcast %broadcast_in_dim3A_59 : i32 to vector<16xi32>
    %slice3A_61 = vector.extract_strided_slice %get3A_2 {offsets = [5], sizes = [1], strides = [1]} : vector<16xi32> to vector<1xi32>
    %squeeze3A_62 = vector.extract %slice3A_61[0] : i32 from vector<1xi32>
    %add3A_63 = vector.broadcast %squeeze3A_62 : i32 to vector<16xi32>
    %add3A_64 = arith.addi %broadcast_in_dim3A_60, %add3A_63 : vector<16xi32>
    %swap3A_65 = arith.constant 5 : i32
    %swap3A_66 = arith.index_cast %swap3A_65 : i32 to index
    %swap3A_67 = arith.constant 0 : index
    %swap3A_68 = tpu.vector_load %arg7[%swap3A_66, %swap3A_67] {strides = array<i32>} : memref<16x16xi32, #tpu.memory_space<vmem>>, vector<1x16xi32>,
    %swap3A_69 = vector.shape_cast %swap3A_68 : vector<1x16xi32> to vector<16xi32>
    %swap3A_70 = vector.shape_cast %add3A_64 : vector<16xi32> to vector<1x16xi32>
    tpu.vector_store %arg7[%swap3A_66, %swap3A_67], %swap3A_70 {strides = array<i32>} : memref<16x16xi32, #tpu.memory_space<vmem>>, vector<1x16xi32>,
    %broadcast_in_dim3A_71 = arith.constant 0 : i32
    %broadcast_in_dim3A_72 = vector.broadcast %broadcast_in_dim3A_71 : i32 to vector<16xi32>
    %slice3A_73 = vector.extract_strided_slice %get3A_2 {offsets = [6], sizes = [1], strides = [1]} : vector<16xi32> to vector<1xi32>
    %squeeze3A_74 = vector.extract %slice3A_73[0] : i32 from vector<1xi32>
    %add3A_75 = vector.broadcast %squeeze3A_74 : i32 to vector<16xi32>
    %add3A_76 = arith.addi %broadcast_in_dim3A_72, %add3A_75 : vector<16xi32>
    %swap3A_77 = arith.constant 6 : i32
    %swap3A_78 = arith.index_cast %swap3A_77 : i32 to index
    %swap3A_79 = arith.constant 0 : index
    %swap3A_80 = tpu.vector_load %arg7[%swap3A_78, %swap3A_79] {strides = array<i32>} : memref<16x16xi32, #tpu.memory_space<vmem>>, vector<1x16xi32>,
    %swap3A_81 = vector.shape_cast %swap3A_80 : vector<1x16xi32> to vector<16xi32>
    %swap3A_82 = vector.shape_cast %add3A_76 : vector<16xi32> to vector<1x16xi32>
    tpu.vector_store %arg7[%swap3A_78, %swap3A_79], %swap3A_82 {strides = array<i32>} : memref<16x16xi32, #tpu.memory_space<vmem>>, vector<1x16xi32>,
    %broadcast_in_dim3A_83 = arith.constant 0 : i32
    %broadcast_in_dim3A_84 = vector.broadcast %broadcast_in_dim3A_83 : i32 to vector<16xi32>
    %slice3A_85 = vector.extract_strided_slice %get3A_2 {offsets = [7], sizes = [1], strides = [1]} : vector<16xi32> to vector<1xi32>
    %squeeze3A_86 = vector.extract %slice3A_85[0] : i32 from vector<1xi32>
    %add3A_87 = vector.broadcast %squeeze3A_86 : i32 to vector<16xi32>
    %add3A_88 = arith.addi %broadcast_in_dim3A_84, %add3A_87 : vector<16xi32>
    %swap3A_89 = arith.constant 7 : i32
    %swap3A_90 = arith.index_cast %swap3A_89 : i32 to index
    %swap3A_91 = arith.constant 0 : index
    %swap3A_92 = tpu.vector_load %arg7[%swap3A_90, %swap3A_91] {strides = array<i32>} : memref<16x16xi32, #tpu.memory_space<vmem>>, vector<1x16xi32>,
    %swap3A_93 = vector.shape_cast %swap3A_92 : vector<1x16xi32> to vector<16xi32>
    %swap3A_94 = vector.shape_cast %add3A_88 : vector<16xi32> to vector<1x16xi32>
    tpu.vector_store %arg7[%swap3A_90, %swap3A_91], %swap3A_94 {strides = array<i32>} : memref<16x16xi32, #tpu.memory_space<vmem>>, vector<1x16xi32>,
    %broadcast_in_dim3A_95 = arith.constant 0 : i32
    %broadcast_in_dim3A_96 = vector.broadcast %broadcast_in_dim3A_95 : i32 to vector<16xi32>
    %slice3A_97 = vector.extract_strided_slice %get3A_2 {offsets = [8], sizes = [1], strides = [1]} : vector<16xi32> to vector<1xi32>
    %squeeze3A_98 = vector.extract %slice3A_97[0] : i32 from vector<1xi32>
    %add3A_99 = vector.broadcast %squeeze3A_98 : i32 to vector<16xi32>
    %add3A_100 = arith.addi %broadcast_in_dim3A_96, %add3A_99 : vector<16xi32>
    %swap3A_101 = arith.constant 8 : i32
    %swap3A_102 = arith.index_cast %swap3A_101 : i32 to index
    %swap3A_103 = arith.constant 0 : index
    %swap3A_104 = tpu.vector_load %arg7[%swap3A_102, %swap3A_103] {strides = array<i32>} : memref<16x16xi32, #tpu.memory_space<vmem>>, vector<1x16xi32>,
    %swap3A_105 = vector.shape_cast %swap3A_104 : vector<1x16xi32> to vector<16xi32>
    %swap3A_106 = vector.shape_cast %add3A_100 : vector<16xi32> to vector<1x16xi32>
    tpu.vector_store %arg7[%swap3A_102, %swap3A_103], %swap3A_106 {strides = array<i32>} : memref<16x16xi32, #tpu.memory_space<vmem>>, vector<1x16xi32>,
    %broadcast_in_dim3A_107 = arith.constant 0 : i32
    %broadcast_in_dim3A_108 = vector.broadcast %broadcast_in_dim3A_107 : i32 to vector<16xi32>
    %slice3A_109 = vector.extract_strided_slice %get3A_2 {offsets = [9], sizes = [1], strides = [1]} : vector<16xi32> to vector<1xi32>
    %squeeze3A_110 = vector.extract %slice3A_109[0] : i32 from vector<1xi32>
    %add3A_111 = vector.broadcast %squeeze3A_110 : i32 to vector<16xi32>
    %add3A_112 = arith.addi %broadcast_in_dim3A_108, %add3A_111 : vector<16xi32>
    %swap3A_113 = arith.constant 9 : i32
    %swap3A_114 = arith.index_cast %swap3A_113 : i32 to index
    %swap3A_115 = arith.constant 0 : index
    %swap3A_116 = tpu.vector_load %arg7[%swap3A_114, %swap3A_115] {strides = array<i32>} : memref<16x16xi32, #tpu.memory_space<vmem>>, vector<1x16xi32>,
    %swap3A_117 = vector.shape_cast %swap3A_116 : vector<1x16xi32> to vector<16xi32>
    %swap3A_118 = vector.shape_cast %add3A_112 : vector<16xi32> to vector<1x16xi32>
    tpu.vector_store %arg7[%swap3A_114, %swap3A_115], %swap3A_118 {strides = array<i32>} : memref<16x16xi32, #tpu.memory_space<vmem>>, vector<1x16xi32>,
    %broadcast_in_dim3A_119 = arith.constant 0 : i32
    %broadcast_in_dim3A_120 = vector.broadcast %broadcast_in_dim3A_119 : i32 to vector<16xi32>
    %slice3A_121 = vector.extract_strided_slice %get3A_2 {offsets = [10], sizes = [1], strides = [1]} : vector<16xi32> to vector<1xi32>
    %squeeze3A_122 = vector.extract %slice3A_121[0] : i32 from vector<1xi32>
    %add3A_123 = vector.broadcast %squeeze3A_122 : i32 to vector<16xi32>
    %add3A_124 = arith.addi %broadcast_in_dim3A_120, %add3A_123 : vector<16xi32>
    %swap3A_125 = arith.constant 10 : i32
    %swap3A_126 = arith.index_cast %swap3A_125 : i32 to index
    %swap3A_127 = arith.constant 0 : index
    %swap3A_128 = tpu.vector_load %arg7[%swap3A_126, %swap3A_127] {strides = array<i32>} : memref<16x16xi32, #tpu.memory_space<vmem>>, vector<1x16xi32>,
    %swap3A_129 = vector.shape_cast %swap3A_128 : vector<1x16xi32> to vector<16xi32>
    %swap3A_130 = vector.shape_cast %add3A_124 : vector<16xi32> to vector<1x16xi32>
    tpu.vector_store %arg7[%swap3A_126, %swap3A_127], %swap3A_130 {strides = array<i32>} : memref<16x16xi32, #tpu.memory_space<vmem>>, vector<1x16xi32>,
    %broadcast_in_dim3A_131 = arith.constant 0 : i32
    %broadcast_in_dim3A_132 = vector.broadcast %broadcast_in_dim3A_131 : i32 to vector<16xi32>
    %slice3A_133 = vector.extract_strided_slice %get3A_2 {offsets = [11], sizes = [1], strides = [1]} : vector<16xi32> to vector<1xi32>
    %squeeze3A_134 = vector.extract %slice3A_133[0] : i32 from vector<1xi32>
    %add3A_135 = vector.broadcast %squeeze3A_134 : i32 to vector<16xi32>
    %add3A_136 = arith.addi %broadcast_in_dim3A_132, %add3A_135 : vector<16xi32>
    %swap3A_137 = arith.constant 11 : i32
    %swap3A_138 = arith.index_cast %swap3A_137 : i32 to index
    %swap3A_139 = arith.constant 0 : index
    %swap3A_140 = tpu.vector_load %arg7[%swap3A_138, %swap3A_139] {strides = array<i32>} : memref<16x16xi32, #tpu.memory_space<vmem>>, vector<1x16xi32>,
    %swap3A_141 = vector.shape_cast %swap3A_140 : vector<1x16xi32> to vector<16xi32>
    %swap3A_142 = vector.shape_cast %add3A_136 : vector<16xi32> to vector<1x16xi32>
    tpu.vector_store %arg7[%swap3A_138, %swap3A_139], %swap3A_142 {strides = array<i32>} : memref<16x16xi32, #tpu.memory_space<vmem>>, vector<1x16xi32>,
    %broadcast_in_dim3A_143 = arith.constant 0 : i32
    %broadcast_in_dim3A_144 = vector.broadcast %broadcast_in_dim3A_143 : i32 to vector<16xi32>
    %slice3A_145 = vector.extract_strided_slice %get3A_2 {offsets = [12], sizes = [1], strides = [1]} : vector<16xi32> to vector<1xi32>
    %squeeze3A_146 = vector.extract %slice3A_145[0] : i32 from vector<1xi32>
    %add3A_147 = vector.broadcast %squeeze3A_146 : i32 to vector<16xi32>
    %add3A_148 = arith.addi %broadcast_in_dim3A_144, %add3A_147 : vector<16xi32>
    %swap3A_149 = arith.constant 12 : i32
    %swap3A_150 = arith.index_cast %swap3A_149 : i32 to index
    %swap3A_151 = arith.constant 0 : index
    %swap3A_152 = tpu.vector_load %arg7[%swap3A_150, %swap3A_151] {strides = array<i32>} : memref<16x16xi32, #tpu.memory_space<vmem>>, vector<1x16xi32>,
    %swap3A_153 = vector.shape_cast %swap3A_152 : vector<1x16xi32> to vector<16xi32>
    %swap3A_154 = vector.shape_cast %add3A_148 : vector<16xi32> to vector<1x16xi32>
    tpu.vector_store %arg7[%swap3A_150, %swap3A_151], %swap3A_154 {strides = array<i32>} : memref<16x16xi32, #tpu.memory_space<vmem>>, vector<1x16xi32>,
    %broadcast_in_dim3A_155 = arith.constant 0 : i32
    %broadcast_in_dim3A_156 = vector.broadcast %broadcast_in_dim3A_155 : i32 to vector<16xi32>
    %slice3A_157 = vector.extract_strided_slice %get3A_2 {offsets = [13], sizes = [1], strides = [1]} : vector<16xi32> to vector<1xi32>
    %squeeze3A_158 = vector.extract %slice3A_157[0] : i32 from vector<1xi32>
    %add3A_159 = vector.broadcast %squeeze3A_158 : i32 to vector<16xi32>
    %add3A_160 = arith.addi %broadcast_in_dim3A_156, %add3A_159 : vector<16xi32>
    %swap3A_161 = arith.constant 13 : i32
    %swap3A_162 = arith.index_cast %swap3A_161 : i32 to index
    %swap3A_163 = arith.constant 0 : index
    %swap3A_164 = tpu.vector_load %arg7[%swap3A_162, %swap3A_163] {strides = array<i32>} : memref<16x16xi32, #tpu.memory_space<vmem>>, vector<1x16xi32>,
    %swap3A_165 = vector.shape_cast %swap3A_164 : vector<1x16xi32> to vector<16xi32>
    %swap3A_166 = vector.shape_cast %add3A_160 : vector<16xi32> to vector<1x16xi32>
    tpu.vector_store %arg7[%swap3A_162, %swap3A_163], %swap3A_166 {strides = array<i32>} : memref<16x16xi32, #tpu.memory_space<vmem>>, vector<1x16xi32>,
    %broadcast_in_dim3A_167 = arith.constant 0 : i32
    %broadcast_in_dim3A_168 = vector.broadcast %broadcast_in_dim3A_167 : i32 to vector<16xi32>
    %slice3A_169 = vector.extract_strided_slice %get3A_2 {offsets = [14], sizes = [1], strides = [1]} : vector<16xi32> to vector<1xi32>
    %squeeze3A_170 = vector.extract %slice3A_169[0] : i32 from vector<1xi32>
    %add3A_171 = vector.broadcast %squeeze3A_170 : i32 to vector<16xi32>
    %add3A_172 = arith.addi %broadcast_in_dim3A_168, %add3A_171 : vector<16xi32>
    %swap3A_173 = arith.constant 14 : i32
    %swap3A_174 = arith.index_cast %swap3A_173 : i32 to index
    %swap3A_175 = arith.constant 0 : index
    %swap3A_176 = tpu.vector_load %arg7[%swap3A_174, %swap3A_175] {strides = array<i32>} : memref<16x16xi32, #tpu.memory_space<vmem>>, vector<1x16xi32>,
    %swap3A_177 = vector.shape_cast %swap3A_176 : vector<1x16xi32> to vector<16xi32>
    %swap3A_178 = vector.shape_cast %add3A_172 : vector<16xi32> to vector<1x16xi32>
    tpu.vector_store %arg7[%swap3A_174, %swap3A_175], %swap3A_178 {strides = array<i32>} : memref<16x16xi32, #tpu.memory_space<vmem>>, vector<1x16xi32>,
    %broadcast_in_dim3A_179 = arith.constant 0 : i32
    %broadcast_in_dim3A_180 = vector.broadcast %broadcast_in_dim3A_179 : i32 to vector<16xi32>
    %slice3A_181 = vector.extract_strided_slice %get3A_2 {offsets = [15], sizes = [1], strides = [1]} : vector<16xi32> to vector<1xi32>
    %squeeze3A_182 = vector.extract %slice3A_181[0] : i32 from vector<1xi32>
    %add3A_183 = vector.broadcast %squeeze3A_182 : i32 to vector<16xi32>
    %add3A_184 = arith.addi %broadcast_in_dim3A_180, %add3A_183 : vector<16xi32>
    %swap3A_185 = arith.constant 15 : i32
    %swap3A_186 = arith.index_cast %swap3A_185 : i32 to index
    %swap3A_187 = arith.constant 0 : index
    %swap3A_188 = tpu.vector_load %arg7[%swap3A_186, %swap3A_187] {strides = array<i32>} : memref<16x16xi32, #tpu.memory_space<vmem>>, vector<1x16xi32>,
    %swap3A_189 = vector.shape_cast %swap3A_188 : vector<1x16xi32> to vector<16xi32>
    %swap3A_190 = vector.shape_cast %add3A_184 : vector<16xi32> to vector<1x16xi32>
    tpu.vector_store %arg7[%swap3A_186, %swap3A_187], %swap3A_190 {strides = array<i32>} : memref<16x16xi32, #tpu.memory_space<vmem>>, vector<1x16xi32>,
    %mul3A_191 = arith.constant 16 : i32
    %mul3A_192 = arith.muli %add3A, %mul3A_191 : i32
    %sub3A = arith.constant 63 : i32
    %sub3A_193 = arith.subi %sub3A, %add3A : i32
    %mul3A_194 = arith.constant 16 : i32
    %mul3A_195 = arith.muli %sub3A_193, %mul3A_194 : i32
    %jit3A = arith.constant true
    %select_n3A = arith.select %jit3A, %mul3A_192, %mul3A_195 : i32
    %get3A_196 = arith.constant 0 : i32
    %get3A_197 = arith.index_cast %get3A_196 : i32 to index
    %get3A_198 = arith.constant 0 : index
    %get3A_199 = tpu.vector_load %arg7[%get3A_197, %get3A_198] {strides = array<i32>} : memref<16x16xi32, #tpu.memory_space<vmem>>, vector<1x16xi32>,
    %get3A_200 = vector.shape_cast %get3A_199 : vector<1x16xi32> to vector<16xi32>
    %shift_right_arithmetic3A = arith.constant 1 : i32
    %shift_right_arithmetic3A_201 = vector.broadcast %shift_right_arithmetic3A : i32 to vector<16xi32>
    %shift_right_arithmetic3A_202 = arith.shrsi %get3A_200, %shift_right_arithmetic3A_201 : vector<16xi32>
    %slice3A_203 = vector.extract_strided_slice %shift_right_arithmetic3A_202 {offsets = [0], sizes = [1], strides = [1]} : vector<16xi32> to vector<1xi32>
    %squeeze3A_204 = vector.extract %slice3A_203[0] : i32 from vector<1xi32>
    %lt3A = arith.cmpi slt, %select_n3A, %squeeze3A_204 : i32
    %convert_element_type3A = arith.extui %lt3A : i1 to i32
    %cond3A = arith.constant 0 : i32
    %cond3A_205 = arith.cmpi ne, %convert_element_type3A, %cond3A : i32
    scf.if %cond3A_205 {
      %mul3A_257 = arith.constant 16 : i32
      %mul3A_258 = arith.muli %add3A, %mul3A_257 : i32
      %sub3A_259 = arith.constant 63 : i32
      %sub3A_260 = arith.subi %sub3A_259, %add3A : i32
      %mul3A_261 = arith.constant 16 : i32
      %mul3A_262 = arith.muli %sub3A_260, %mul3A_261 : i32
      %jit3A_263 = arith.constant true
      %select_n3A_264 = arith.select %jit3A_263, %mul3A_258, %mul3A_262 : i32
      %get3A_265 = arith.constant 0 : i32
      %get3A_266 = arith.index_cast %get3A_265 : i32 to index
      %get3A_267 = arith.constant 0 : index
      %get3A_268 = tpu.vector_load %arg7[%get3A_266, %get3A_267] {strides = array<i32>} : memref<16x16xi32, #tpu.memory_space<vmem>>, vector<1x16xi32>,
      %get3A_269 = vector.shape_cast %get3A_268 : vector<1x16xi32> to vector<16xi32>
      %add3A_270 = vector.broadcast %select_n3A_264 : i32 to vector<16xi32>
      %add3A_271 = arith.addi %add3A_270, %iota3A : vector<16xi32>
      %shift_right_arithmetic3A_272 = arith.constant 1 : i32
      %shift_right_arithmetic3A_273 = vector.broadcast %shift_right_arithmetic3A_272 : i32 to vector<16xi32>
      %shift_right_arithmetic3A_274 = arith.shrsi %get3A_269, %shift_right_arithmetic3A_273 : vector<16xi32>
      %le3A = arith.cmpi sle, %shift_right_arithmetic3A_274, %add3A_271 : vector<16xi32>
      %mul3A_275 = arith.constant 2 : i32
      %mul3A_276 = vector.broadcast %mul3A_275 : i32 to vector<16xi32>
      %mul3A_277 = arith.muli %mul3A_276, %add3A_271 : vector<16xi32>
      %add3A_278 = arith.constant 0 : i32
      %add3A_279 = vector.broadcast %add3A_278 : i32 to vector<16xi32>
      %add3A_280 = arith.addi %mul3A_277, %add3A_279 : vector<16xi32>
      %max3A = arith.maxsi %add3A_280, %get3A_269 : vector<16xi32>
      %select_n3A_281 = arith.select %le3A, %max3A, %add3A_280 : vector<16xi1>, vector<16xi32>
      %mul3A_282 = arith.constant 16 : i32
      %mul3A_283 = vector.broadcast %mul3A_282 : i32 to vector<16xi32>
      %mul3A_284 = arith.muli %select_n3A_281, %mul3A_283 : vector<16xi32>
      %add3A_285 = arith.constant 0 : i32
      %add3A_286 = vector.broadcast %add3A_285 : i32 to vector<16xi32>
      %add3A_287 = arith.addi %mul3A_284, %add3A_286 : vector<16xi32>
      %swap3A_288 = arith.constant 0 : i32
      %swap3A_289 = arith.constant 0 : i32
      %swap3A_290 = arith.index_cast %swap3A_288 : i32 to index
      %swap3A_291 = arith.index_cast %swap3A_289 : i32 to index
      %swap3A_292 = arith.constant 0 : index
      %swap3A_293 = tpu.vector_load %arg8[%swap3A_290, %swap3A_291, %swap3A_292] {strides = array<i32>} : memref<2x2x16xi32, #tpu.memory_space<vmem>>, vector<1x1x16xi32>,
      %swap3A_294 = vector.shape_cast %swap3A_293 : vector<1x1x16xi32> to vector<16xi32>
      %swap3A_295 = vector.shape_cast %add3A_287 : vector<16xi32> to vector<1x1x16xi32>
      tpu.vector_store %arg8[%swap3A_290, %swap3A_291, %swap3A_292], %swap3A_295 {strides = array<i32>} : memref<2x2x16xi32, #tpu.memory_space<vmem>>, vector<1x1x16xi32>,
      %mul3A_296 = arith.constant 2 : i32
      %mul3A_297 = vector.broadcast %mul3A_296 : i32 to vector<16xi32>
      %mul3A_298 = arith.muli %mul3A_297, %add3A_271 : vector<16xi32>
      %add3A_299 = arith.constant 1 : i32
      %add3A_300 = vector.broadcast %add3A_299 : i32 to vector<16xi32>
      %add3A_301 = arith.addi %mul3A_298, %add3A_300 : vector<16xi32>
      %max3A_302 = arith.maxsi %add3A_301, %get3A_269 : vector<16xi32>
      %select_n3A_303 = arith.select %le3A, %max3A_302, %add3A_301 : vector<16xi1>, vector<16xi32>
      %mul3A_304 = arith.constant 16 : i32
      %mul3A_305 = vector.broadcast %mul3A_304 : i32 to vector<16xi32>
      %mul3A_306 = arith.muli %select_n3A_303, %mul3A_305 : vector<16xi32>
      %add3A_307 = arith.constant 0 : i32
      %add3A_308 = vector.broadcast %add3A_307 : i32 to vector<16xi32>
      %add3A_309 = arith.addi %mul3A_306, %add3A_308 : vector<16xi32>
      %swap3A_310 = arith.constant 0 : i32
      %swap3A_311 = arith.constant 1 : i32
      %swap3A_312 = arith.index_cast %swap3A_310 : i32 to index
      %swap3A_313 = arith.index_cast %swap3A_311 : i32 to index
      %swap3A_314 = arith.constant 0 : index
      %swap3A_315 = tpu.vector_load %arg8[%swap3A_312, %swap3A_313, %swap3A_314] {strides = array<i32>} : memref<2x2x16xi32, #tpu.memory_space<vmem>>, vector<1x1x16xi32>,
      %swap3A_316 = vector.shape_cast %swap3A_315 : vector<1x1x16xi32> to vector<16xi32>
      %swap3A_317 = vector.shape_cast %add3A_309 : vector<16xi32> to vector<1x1x16xi32>
      tpu.vector_store %arg8[%swap3A_312, %swap3A_313, %swap3A_314], %swap3A_317 {strides = array<i32>} : memref<2x2x16xi32, #tpu.memory_space<vmem>>, vector<1x1x16xi32>,
      %dma_start3A = arith.constant 0 : i32
      %dma_start3A_318 = arith.constant 0 : i32
      %dma_start3A_319 = arith.constant 0 : i32
      %dma_start3A_320 = arith.constant 0 : i32
      %dma_start3A_321 = arith.constant 0 : i32
      %dma_start3A_322 = tpu.memref_slice %arg9[%dma_start3A_319, %dma_start3A_320, %dma_start3A_321] : memref<2x16x2048xf32, #tpu.memory_space<vmem>> -> memref<1x16x1024xf32, #tpu.memory_space<vmem>>
      %dma_start3A_323 = tpu.memref_squeeze %dma_start3A_322 : memref<1x16x1024xf32, #tpu.memory_space<vmem>> -> memref<16x1024xf32, #tpu.memory_space<vmem>>
      %dma_start3A_324 = arith.constant 0 : i32
      %dma_start3A_325 = tpu.memref_slice %arg8[%dma_start3A, %dma_start3A_318, %dma_start3A_324] : memref<2x2x16xi32, #tpu.memory_space<vmem>> -> memref<1x1x16xi32, #tpu.memory_space<vmem>>
      %dma_start3A_326 = tpu.memref_squeeze %dma_start3A_325 : memref<1x1x16xi32, #tpu.memory_space<vmem>> -> memref<16xi32, #tpu.memory_space<vmem>>
      %dma_start3A_327 = arith.constant 0 : i32
      %dma_start3A_328 = arith.constant 0 : i32
      %dma_start3A_329 = tpu.memref_slice %arg2[%dma_start3A_327, %dma_start3A_328] : memref<32768x1024xf32, #tpu.memory_space<hbm>> -> memref<32768x1024xf32, #tpu.memory_space<hbm>>
      tpu.enqueue_indirect_dma source(%dma_start3A_329 : memref<32768x1024xf32, #tpu.memory_space<hbm>>) target(%dma_start3A_323 : memref<16x1024xf32, #tpu.memory_space<vmem>>) offsets(%dma_start3A_326 : memref<16xi32, #tpu.memory_space<vmem>>) semaphore(%arg11 : memref<!tpu.dma_semaphore, #tpu.memory_space<semaphore_mem>>)
      %dma_start3A_330 = arith.constant 0 : i32
      %dma_start3A_331 = arith.constant 1 : i32
      %dma_start3A_332 = arith.constant 0 : i32
      %dma_start3A_333 = arith.constant 0 : i32
      %dma_start3A_334 = arith.constant 1024 : i32
      %dma_start3A_335 = tpu.memref_slice %arg9[%dma_start3A_332, %dma_start3A_333, %dma_start3A_334] : memref<2x16x2048xf32, #tpu.memory_space<vmem>> -> memref<1x16x1024xf32, #tpu.memory_space<vmem>>
      %dma_start3A_336 = tpu.memref_squeeze %dma_start3A_335 : memref<1x16x1024xf32, #tpu.memory_space<vmem>> -> memref<16x1024xf32, #tpu.memory_space<vmem>>
      %dma_start3A_337 = arith.constant 0 : i32
      %dma_start3A_338 = tpu.memref_slice %arg8[%dma_start3A_330, %dma_start3A_331, %dma_start3A_337] : memref<2x2x16xi32, #tpu.memory_space<vmem>> -> memref<1x1x16xi32, #tpu.memory_space<vmem>>
      %dma_start3A_339 = tpu.memref_squeeze %dma_start3A_338 : memref<1x1x16xi32, #tpu.memory_space<vmem>> -> memref<16xi32, #tpu.memory_space<vmem>>
      %dma_start3A_340 = arith.constant 0 : i32
      %dma_start3A_341 = arith.constant 0 : i32
      %dma_start3A_342 = tpu.memref_slice %arg2[%dma_start3A_340, %dma_start3A_341] : memref<32768x1024xf32, #tpu.memory_space<hbm>> -> memref<32768x1024xf32, #tpu.memory_space<hbm>>
      tpu.enqueue_indirect_dma source(%dma_start3A_342 : memref<32768x1024xf32, #tpu.memory_space<hbm>>) target(%dma_start3A_336 : memref<16x1024xf32, #tpu.memory_space<vmem>>) offsets(%dma_start3A_339 : memref<16xi32, #tpu.memory_space<vmem>>) semaphore(%arg11 : memref<!tpu.dma_semaphore, #tpu.memory_space<semaphore_mem>>)
    } else {
    }
    %scan3A = arith.constant 0 : i32
    %scan3A_206 = arith.constant 16 : i32
    %scan3A_207 = arith.addi %scan3A, %scan3A_206 : i32
    %scan3A_208 = arith.constant 1 : i32
    scf.for %scan3A_257 = %scan3A to %scan3A_207 step %scan3A_208  : i32 {
      %mul3A_258 = arith.constant 2 : i32
      %mul3A_259 = arith.muli %scan3A_257, %mul3A_258 : i32
      %add3A_260 = arith.constant 0 : i32
      %add3A_261 = arith.addi %add3A_260, %mul3A_259 : i32
      %add3A_262 = arith.constant 0 : i32
      %add3A_263 = arith.addi %add3A_261, %add3A_262 : i32
      %ge3A = arith.constant 1 : i32
      %ge3A_264 = arith.cmpi sge, %add3A_263, %ge3A : i32
      %convert_element_type3A_265 = arith.extui %ge3A_264 : i1 to i32
      %cond3A_266 = arith.constant 0 : i32
      %cond3A_267 = arith.cmpi ne, %convert_element_type3A_265, %cond3A_266 : i32
      scf.if %cond3A_267 {
        %sub3A_364 = arith.constant 1 : i32
        %sub3A_365 = arith.subi %add3A_263, %sub3A_364 : i32
        %mul3A_366 = arith.constant 16 : i32
        %mul3A_367 = arith.muli %add3A, %mul3A_366 : i32
        %sub3A_368 = arith.constant 63 : i32
        %sub3A_369 = arith.subi %sub3A_368, %add3A : i32
        %mul3A_370 = arith.constant 16 : i32
        %mul3A_371 = arith.muli %sub3A_369, %mul3A_370 : i32
        %shift_right_arithmetic3A_372 = arith.constant 4 : i32
        %shift_right_arithmetic3A_373 = arith.shrsi %sub3A_365, %shift_right_arithmetic3A_372 : i32
        %and3A_374 = arith.constant 15 : i32
        %and3A_375 = arith.andi %sub3A_365, %and3A_374 : i32
        %eq3A_376 = arith.constant 0 : i32
        %eq3A_377 = arith.cmpi eq, %shift_right_arithmetic3A_373, %eq3A_376 : i32
        %select_n3A_378 = arith.select %eq3A_377, %mul3A_367, %mul3A_371 : i32
        %dma_wait3A_379 = arith.constant 1 : i32
        %dma_wait3A_380 = arith.constant 0 : i32
        %dma_wait3A_381 = arith.constant 0 : i32
        %dma_wait3A_382 = tpu.memref_slice %arg9[%dma_wait3A_379, %dma_wait3A_380, %dma_wait3A_381] : memref<2x16x2048xf32, #tpu.memory_space<vmem>> -> memref<1x16x2048xf32, #tpu.memory_space<vmem>>
        %dma_wait3A_383 = tpu.memref_squeeze %dma_wait3A_382 : memref<1x16x2048xf32, #tpu.memory_space<vmem>> -> memref<16x2048xf32, #tpu.memory_space<vmem>>
        %dma_wait3A_384 = arith.constant 0 : i32
        %dma_wait3A_385 = tpu.memref_slice %arg5[%select_n3A_378, %and3A_375, %dma_wait3A_384] : memref<1024x16x2048xf32, #tpu.memory_space<hbm>> -> memref<16x1x2048xf32, #tpu.memory_space<hbm>>
        %dma_wait3A_386 = tpu.memref_squeeze %dma_wait3A_385 : memref<16x1x2048xf32, #tpu.memory_space<hbm>> -> memref<16x2048xf32, #tpu.memory_space<hbm>>
        %dma_wait3A_387 = arith.constant 0 : i32
        %dma_wait3A_388 = tpu.memref_slice %arg5[%select_n3A_378, %and3A_375, %dma_wait3A_387] : memref<1024x16x2048xf32, #tpu.memory_space<hbm>> -> memref<16x1x2048xf32, #tpu.memory_space<hbm>>
        %dma_wait3A_389 = tpu.memref_squeeze %dma_wait3A_388 : memref<16x1x2048xf32, #tpu.memory_space<hbm>> -> memref<16x2048xf32, #tpu.memory_space<hbm>>
        %dma_wait3A_390 = arith.constant 0 : i32
        %dma_wait3A_391 = arith.constant 0 : i32
        %dma_wait3A_392 = tpu.memref_slice %arg9[%dma_wait3A_379, %dma_wait3A_390, %dma_wait3A_391] : memref<2x16x2048xf32, #tpu.memory_space<vmem>> -> memref<1x16x2048xf32, #tpu.memory_space<vmem>>
        %dma_wait3A_393 = tpu.memref_squeeze %dma_wait3A_392 : memref<1x16x2048xf32, #tpu.memory_space<vmem>> -> memref<16x2048xf32, #tpu.memory_space<vmem>>
        tpu.wait_dma2 semaphore(%arg14 : memref<!tpu.dma_semaphore, #tpu.memory_space<semaphore_mem>>) src(%dma_wait3A_393 : memref<16x2048xf32, #tpu.memory_space<vmem>>) dst(%dma_wait3A_389 : memref<16x2048xf32, #tpu.memory_space<hbm>>)
      } else {
      }
      %add3A_268 = arith.constant 1 : i32
      %add3A_269 = arith.addi %add3A_263, %add3A_268 : i32
      %mul3A_270 = arith.constant 16 : i32
      %mul3A_271 = arith.muli %add3A, %mul3A_270 : i32
      %sub3A_272 = arith.constant 63 : i32
      %sub3A_273 = arith.subi %sub3A_272, %add3A : i32
      %mul3A_274 = arith.constant 16 : i32
      %mul3A_275 = arith.muli %sub3A_273, %mul3A_274 : i32
      %shift_right_arithmetic3A_276 = arith.constant 4 : i32
      %shift_right_arithmetic3A_277 = arith.shrsi %add3A_269, %shift_right_arithmetic3A_276 : i32
      %and3A = arith.constant 15 : i32
      %and3A_278 = arith.andi %add3A_269, %and3A : i32
      %eq3A = arith.constant 0 : i32
      %eq3A_279 = arith.cmpi eq, %shift_right_arithmetic3A_277, %eq3A : i32
      %select_n3A_280 = arith.select %eq3A_279, %mul3A_271, %mul3A_275 : i32
      %get3A_281 = arith.index_cast %and3A_278 : i32 to index
      %get3A_282 = arith.constant 0 : index
      %get3A_283 = tpu.vector_load %arg7[%get3A_281, %get3A_282] {strides = array<i32>} : memref<16x16xi32, #tpu.memory_space<vmem>>, vector<1x16xi32>,
      %get3A_284 = vector.shape_cast %get3A_283 : vector<1x16xi32> to vector<16xi32>
      %shift_right_arithmetic3A_285 = arith.constant 1 : i32
      %shift_right_arithmetic3A_286 = vector.broadcast %shift_right_arithmetic3A_285 : i32 to vector<16xi32>
      %shift_right_arithmetic3A_287 = arith.shrsi %get3A_284, %shift_right_arithmetic3A_286 : vector<16xi32>
      %slice3A_288 = vector.extract_strided_slice %shift_right_arithmetic3A_287 {offsets = [0], sizes = [1], strides = [1]} : vector<16xi32> to vector<1xi32>
      %squeeze3A_289 = vector.extract %slice3A_288[0] : i32 from vector<1xi32>
      %lt3A_290 = arith.cmpi slt, %select_n3A_280, %squeeze3A_289 : i32
      %convert_element_type3A_291 = arith.extui %lt3A_290 : i1 to i32
      %cond3A_292 = arith.constant 0 : i32
      %cond3A_293 = arith.cmpi ne, %convert_element_type3A_291, %cond3A_292 : i32
      scf.if %cond3A_293 {
        %mul3A_364 = arith.constant 16 : i32
        %mul3A_365 = arith.muli %add3A, %mul3A_364 : i32
        %sub3A_366 = arith.constant 63 : i32
        %sub3A_367 = arith.subi %sub3A_366, %add3A : i32
        %mul3A_368 = arith.constant 16 : i32
        %mul3A_369 = arith.muli %sub3A_367, %mul3A_368 : i32
        %shift_right_arithmetic3A_370 = arith.constant 4 : i32
        %shift_right_arithmetic3A_371 = arith.shrsi %add3A_269, %shift_right_arithmetic3A_370 : i32
        %and3A_372 = arith.constant 15 : i32
        %and3A_373 = arith.andi %add3A_269, %and3A_372 : i32
        %eq3A_374 = arith.constant 0 : i32
        %eq3A_375 = arith.cmpi eq, %shift_right_arithmetic3A_371, %eq3A_374 : i32
        %select_n3A_376 = arith.select %eq3A_375, %mul3A_365, %mul3A_369 : i32
        %get3A_377 = arith.index_cast %and3A_373 : i32 to index
        %get3A_378 = arith.constant 0 : index
        %get3A_379 = tpu.vector_load %arg7[%get3A_377, %get3A_378] {strides = array<i32>} : memref<16x16xi32, #tpu.memory_space<vmem>>, vector<1x16xi32>,
        %get3A_380 = vector.shape_cast %get3A_379 : vector<1x16xi32> to vector<16xi32>
        %add3A_381 = vector.broadcast %select_n3A_376 : i32 to vector<16xi32>
        %add3A_382 = arith.addi %add3A_381, %iota3A : vector<16xi32>
        %shift_right_arithmetic3A_383 = arith.constant 1 : i32
        %shift_right_arithmetic3A_384 = vector.broadcast %shift_right_arithmetic3A_383 : i32 to vector<16xi32>
        %shift_right_arithmetic3A_385 = arith.shrsi %get3A_380, %shift_right_arithmetic3A_384 : vector<16xi32>
        %le3A = arith.cmpi sle, %shift_right_arithmetic3A_385, %add3A_382 : vector<16xi32>
        %mul3A_386 = arith.constant 2 : i32
        %mul3A_387 = vector.broadcast %mul3A_386 : i32 to vector<16xi32>
        %mul3A_388 = arith.muli %mul3A_387, %add3A_382 : vector<16xi32>
        %add3A_389 = arith.constant 0 : i32
        %add3A_390 = vector.broadcast %add3A_389 : i32 to vector<16xi32>
        %add3A_391 = arith.addi %mul3A_388, %add3A_390 : vector<16xi32>
        %max3A = arith.maxsi %add3A_391, %get3A_380 : vector<16xi32>
        %select_n3A_392 = arith.select %le3A, %max3A, %add3A_391 : vector<16xi1>, vector<16xi32>
        %mul3A_393 = arith.constant 16 : i32
        %mul3A_394 = vector.broadcast %mul3A_393 : i32 to vector<16xi32>
        %mul3A_395 = arith.muli %select_n3A_392, %mul3A_394 : vector<16xi32>
        %add3A_396 = vector.broadcast %and3A_373 : i32 to vector<16xi32>
        %add3A_397 = arith.addi %mul3A_395, %add3A_396 : vector<16xi32>
        %swap3A_398 = arith.constant 1 : i32
        %swap3A_399 = arith.constant 0 : i32
        %swap3A_400 = arith.index_cast %swap3A_398 : i32 to index
        %swap3A_401 = arith.index_cast %swap3A_399 : i32 to index
        %swap3A_402 = arith.constant 0 : index
        %swap3A_403 = tpu.vector_load %arg8[%swap3A_400, %swap3A_401, %swap3A_402] {strides = array<i32>} : memref<2x2x16xi32, #tpu.memory_space<vmem>>, vector<1x1x16xi32>,
        %swap3A_404 = vector.shape_cast %swap3A_403 : vector<1x1x16xi32> to vector<16xi32>
        %swap3A_405 = vector.shape_cast %add3A_397 : vector<16xi32> to vector<1x1x16xi32>
        tpu.vector_store %arg8[%swap3A_400, %swap3A_401, %swap3A_402], %swap3A_405 {strides = array<i32>} : memref<2x2x16xi32, #tpu.memory_space<vmem>>, vector<1x1x16xi32>,
        %mul3A_406 = arith.constant 2 : i32
        %mul3A_407 = vector.broadcast %mul3A_406 : i32 to vector<16xi32>
        %mul3A_408 = arith.muli %mul3A_407, %add3A_382 : vector<16xi32>
        %add3A_409 = arith.constant 1 : i32
        %add3A_410 = vector.broadcast %add3A_409 : i32 to vector<16xi32>
        %add3A_411 = arith.addi %mul3A_408, %add3A_410 : vector<16xi32>
        %max3A_412 = arith.maxsi %add3A_411, %get3A_380 : vector<16xi32>
        %select_n3A_413 = arith.select %le3A, %max3A_412, %add3A_411 : vector<16xi1>, vector<16xi32>
        %mul3A_414 = arith.constant 16 : i32
        %mul3A_415 = vector.broadcast %mul3A_414 : i32 to vector<16xi32>
        %mul3A_416 = arith.muli %select_n3A_413, %mul3A_415 : vector<16xi32>
        %add3A_417 = vector.broadcast %and3A_373 : i32 to vector<16xi32>
        %add3A_418 = arith.addi %mul3A_416, %add3A_417 : vector<16xi32>
        %swap3A_419 = arith.constant 1 : i32
        %swap3A_420 = arith.constant 1 : i32
        %swap3A_421 = arith.index_cast %swap3A_419 : i32 to index
        %swap3A_422 = arith.index_cast %swap3A_420 : i32 to index
        %swap3A_423 = arith.constant 0 : index
        %swap3A_424 = tpu.vector_load %arg8[%swap3A_421, %swap3A_422, %swap3A_423] {strides = array<i32>} : memref<2x2x16xi32, #tpu.memory_space<vmem>>, vector<1x1x16xi32>,
        %swap3A_425 = vector.shape_cast %swap3A_424 : vector<1x1x16xi32> to vector<16xi32>
        %swap3A_426 = vector.shape_cast %add3A_418 : vector<16xi32> to vector<1x1x16xi32>
        tpu.vector_store %arg8[%swap3A_421, %swap3A_422, %swap3A_423], %swap3A_426 {strides = array<i32>} : memref<2x2x16xi32, #tpu.memory_space<vmem>>, vector<1x1x16xi32>,
        %dma_start3A = arith.constant 1 : i32
        %dma_start3A_427 = arith.constant 0 : i32
        %dma_start3A_428 = arith.constant 1 : i32
        %dma_start3A_429 = arith.constant 0 : i32
        %dma_start3A_430 = arith.constant 0 : i32
        %dma_start3A_431 = tpu.memref_slice %arg9[%dma_start3A_428, %dma_start3A_429, %dma_start3A_430] : memref<2x16x2048xf32, #tpu.memory_space<vmem>> -> memref<1x16x1024xf32, #tpu.memory_space<vmem>>
        %dma_start3A_432 = tpu.memref_squeeze %dma_start3A_431 : memref<1x16x1024xf32, #tpu.memory_space<vmem>> -> memref<16x1024xf32, #tpu.memory_space<vmem>>
        %dma_start3A_433 = arith.constant 0 : i32
        %dma_start3A_434 = tpu.memref_slice %arg8[%dma_start3A, %dma_start3A_427, %dma_start3A_433] : memref<2x2x16xi32, #tpu.memory_space<vmem>> -> memref<1x1x16xi32, #tpu.memory_space<vmem>>
        %dma_start3A_435 = tpu.memref_squeeze %dma_start3A_434 : memref<1x1x16xi32, #tpu.memory_space<vmem>> -> memref<16xi32, #tpu.memory_space<vmem>>
        %dma_start3A_436 = arith.constant 0 : i32
        %dma_start3A_437 = arith.constant 0 : i32
        %dma_start3A_438 = tpu.memref_slice %arg2[%dma_start3A_436, %dma_start3A_437] : memref<32768x1024xf32, #tpu.memory_space<hbm>> -> memref<32768x1024xf32, #tpu.memory_space<hbm>>
        tpu.enqueue_indirect_dma source(%dma_start3A_438 : memref<32768x1024xf32, #tpu.memory_space<hbm>>) target(%dma_start3A_432 : memref<16x1024xf32, #tpu.memory_space<vmem>>) offsets(%dma_start3A_435 : memref<16xi32, #tpu.memory_space<vmem>>) semaphore(%arg12 : memref<!tpu.dma_semaphore, #tpu.memory_space<semaphore_mem>>)
        %dma_start3A_439 = arith.constant 1 : i32
        %dma_start3A_440 = arith.constant 1 : i32
        %dma_start3A_441 = arith.constant 1 : i32
        %dma_start3A_442 = arith.constant 0 : i32
        %dma_start3A_443 = arith.constant 1024 : i32
        %dma_start3A_444 = tpu.memref_slice %arg9[%dma_start3A_441, %dma_start3A_442, %dma_start3A_443] : memref<2x16x2048xf32, #tpu.memory_space<vmem>> -> memref<1x16x1024xf32, #tpu.memory_space<vmem>>
        %dma_start3A_445 = tpu.memref_squeeze %dma_start3A_444 : memref<1x16x1024xf32, #tpu.memory_space<vmem>> -> memref<16x1024xf32, #tpu.memory_space<vmem>>
        %dma_start3A_446 = arith.constant 0 : i32
        %dma_start3A_447 = tpu.memref_slice %arg8[%dma_start3A_439, %dma_start3A_440, %dma_start3A_446] : memref<2x2x16xi32, #tpu.memory_space<vmem>> -> memref<1x1x16xi32, #tpu.memory_space<vmem>>
        %dma_start3A_448 = tpu.memref_squeeze %dma_start3A_447 : memref<1x1x16xi32, #tpu.memory_space<vmem>> -> memref<16xi32, #tpu.memory_space<vmem>>
        %dma_start3A_449 = arith.constant 0 : i32
        %dma_start3A_450 = arith.constant 0 : i32
        %dma_start3A_451 = tpu.memref_slice %arg2[%dma_start3A_449, %dma_start3A_450] : memref<32768x1024xf32, #tpu.memory_space<hbm>> -> memref<32768x1024xf32, #tpu.memory_space<hbm>>
        tpu.enqueue_indirect_dma source(%dma_start3A_451 : memref<32768x1024xf32, #tpu.memory_space<hbm>>) target(%dma_start3A_445 : memref<16x1024xf32, #tpu.memory_space<vmem>>) offsets(%dma_start3A_448 : memref<16xi32, #tpu.memory_space<vmem>>) semaphore(%arg12 : memref<!tpu.dma_semaphore, #tpu.memory_space<semaphore_mem>>)
      } else {
      }
      %mul3A_294 = arith.constant 16 : i32
      %mul3A_295 = arith.muli %add3A, %mul3A_294 : i32
      %sub3A_296 = arith.constant 63 : i32
      %sub3A_297 = arith.subi %sub3A_296, %add3A : i32
      %mul3A_298 = arith.constant 16 : i32
      %mul3A_299 = arith.muli %sub3A_297, %mul3A_298 : i32
      %shift_right_arithmetic3A_300 = arith.constant 4 : i32
      %shift_right_arithmetic3A_301 = arith.shrsi %add3A_263, %shift_right_arithmetic3A_300 : i32
      %and3A_302 = arith.constant 15 : i32
      %and3A_303 = arith.andi %add3A_263, %and3A_302 : i32
      %eq3A_304 = arith.constant 0 : i32
      %eq3A_305 = arith.cmpi eq, %shift_right_arithmetic3A_301, %eq3A_304 : i32
      %select_n3A_306 = arith.select %eq3A_305, %mul3A_295, %mul3A_299 : i32
      %get3A_307 = arith.index_cast %and3A_303 : i32 to index
      %get3A_308 = arith.constant 0 : index
      %get3A_309 = tpu.vector_load %arg7[%get3A_307, %get3A_308] {strides = array<i32>} : memref<16x16xi32, #tpu.memory_space<vmem>>, vector<1x16xi32>,
      %get3A_310 = vector.shape_cast %get3A_309 : vector<1x16xi32> to vector<16xi32>
      %shift_right_arithmetic3A_311 = arith.constant 1 : i32
      %shift_right_arithmetic3A_312 = vector.broadcast %shift_right_arithmetic3A_311 : i32 to vector<16xi32>
      %shift_right_arithmetic3A_313 = arith.shrsi %get3A_310, %shift_right_arithmetic3A_312 : vector<16xi32>
      %slice3A_314 = vector.extract_strided_slice %shift_right_arithmetic3A_313 {offsets = [0], sizes = [1], strides = [1]} : vector<16xi32> to vector<1xi32>
      %squeeze3A_315 = vector.extract %slice3A_314[0] : i32 from vector<1xi32>
      %lt3A_316 = arith.cmpi slt, %select_n3A_306, %squeeze3A_315 : i32
      %convert_element_type3A_317 = arith.extui %lt3A_316 : i1 to i32
      %cond3A_318 = arith.constant 0 : i32
      %cond3A_319 = arith.cmpi ne, %convert_element_type3A_317, %cond3A_318 : i32
      scf.if %cond3A_319 {
        %dma_wait3A_364 = arith.constant 0 : i32
        %dma_wait3A_365 = arith.constant 0 : i32
        %dma_wait3A_366 = arith.constant 0 : i32
        %dma_wait3A_367 = arith.constant 0 : i32
        %dma_wait3A_368 = arith.constant 0 : i32
        %dma_wait3A_369 = tpu.memref_slice %arg9[%dma_wait3A_366, %dma_wait3A_367, %dma_wait3A_368] : memref<2x16x2048xf32, #tpu.memory_space<vmem>> -> memref<1x16x1024xf32, #tpu.memory_space<vmem>>
        %dma_wait3A_370 = tpu.memref_squeeze %dma_wait3A_369 : memref<1x16x1024xf32, #tpu.memory_space<vmem>> -> memref<16x1024xf32, #tpu.memory_space<vmem>>
        %dma_wait3A_371 = arith.constant 0 : i32
        %dma_wait3A_372 = tpu.memref_slice %arg8[%dma_wait3A_364, %dma_wait3A_365, %dma_wait3A_371] : memref<2x2x16xi32, #tpu.memory_space<vmem>> -> memref<1x1x16xi32, #tpu.memory_space<vmem>>
        %dma_wait3A_373 = tpu.memref_squeeze %dma_wait3A_372 : memref<1x1x16xi32, #tpu.memory_space<vmem>> -> memref<16xi32, #tpu.memory_space<vmem>>
        %dma_wait3A_374 = arith.constant 0 : i32
        %dma_wait3A_375 = arith.constant 0 : i32
        %dma_wait3A_376 = tpu.memref_slice %arg2[%dma_wait3A_374, %dma_wait3A_375] : memref<32768x1024xf32, #tpu.memory_space<hbm>> -> memref<32768x1024xf32, #tpu.memory_space<hbm>>
        tpu.wait_indirect_dma semaphore(%arg11 : memref<!tpu.dma_semaphore, #tpu.memory_space<semaphore_mem>>) src(%dma_wait3A_376 : memref<32768x1024xf32, #tpu.memory_space<hbm>>) dst(%dma_wait3A_370 : memref<16x1024xf32, #tpu.memory_space<vmem>>)
        %dma_wait3A_377 = arith.constant 0 : i32
        %dma_wait3A_378 = arith.constant 1 : i32
        %dma_wait3A_379 = arith.constant 0 : i32
        %dma_wait3A_380 = arith.constant 0 : i32
        %dma_wait3A_381 = arith.constant 1024 : i32
        %dma_wait3A_382 = tpu.memref_slice %arg9[%dma_wait3A_379, %dma_wait3A_380, %dma_wait3A_381] : memref<2x16x2048xf32, #tpu.memory_space<vmem>> -> memref<1x16x1024xf32, #tpu.memory_space<vmem>>
        %dma_wait3A_383 = tpu.memref_squeeze %dma_wait3A_382 : memref<1x16x1024xf32, #tpu.memory_space<vmem>> -> memref<16x1024xf32, #tpu.memory_space<vmem>>
        %dma_wait3A_384 = arith.constant 0 : i32
        %dma_wait3A_385 = tpu.memref_slice %arg8[%dma_wait3A_377, %dma_wait3A_378, %dma_wait3A_384] : memref<2x2x16xi32, #tpu.memory_space<vmem>> -> memref<1x1x16xi32, #tpu.memory_space<vmem>>
        %dma_wait3A_386 = tpu.memref_squeeze %dma_wait3A_385 : memref<1x1x16xi32, #tpu.memory_space<vmem>> -> memref<16xi32, #tpu.memory_space<vmem>>
        %dma_wait3A_387 = arith.constant 0 : i32
        %dma_wait3A_388 = arith.constant 0 : i32
        %dma_wait3A_389 = tpu.memref_slice %arg2[%dma_wait3A_387, %dma_wait3A_388] : memref<32768x1024xf32, #tpu.memory_space<hbm>> -> memref<32768x1024xf32, #tpu.memory_space<hbm>>
        tpu.wait_indirect_dma semaphore(%arg11 : memref<!tpu.dma_semaphore, #tpu.memory_space<semaphore_mem>>) src(%dma_wait3A_389 : memref<32768x1024xf32, #tpu.memory_space<hbm>>) dst(%dma_wait3A_383 : memref<16x1024xf32, #tpu.memory_space<vmem>>)
        %mul3A_390 = arith.constant 16 : i32
        %mul3A_391 = arith.muli %add3A, %mul3A_390 : i32
        %sub3A_392 = arith.constant 63 : i32
        %sub3A_393 = arith.subi %sub3A_392, %add3A : i32
        %mul3A_394 = arith.constant 16 : i32
        %mul3A_395 = arith.muli %sub3A_393, %mul3A_394 : i32
        %shift_right_arithmetic3A_396 = arith.constant 4 : i32
        %shift_right_arithmetic3A_397 = arith.shrsi %add3A_263, %shift_right_arithmetic3A_396 : i32
        %and3A_398 = arith.constant 15 : i32
        %and3A_399 = arith.andi %add3A_263, %and3A_398 : i32
        %eq3A_400 = arith.constant 0 : i32
        %eq3A_401 = arith.cmpi eq, %shift_right_arithmetic3A_397, %eq3A_400 : i32
        %select_n3A_402 = arith.select %eq3A_401, %mul3A_391, %mul3A_395 : i32
        %dma_start3A = arith.constant 0 : i32
        %dma_start3A_403 = arith.constant 0 : i32
        %dma_start3A_404 = arith.constant 0 : i32
        %dma_start3A_405 = tpu.memref_slice %arg9[%dma_start3A, %dma_start3A_403, %dma_start3A_404] : memref<2x16x2048xf32, #tpu.memory_space<vmem>> -> memref<1x16x2048xf32, #tpu.memory_space<vmem>>
        %dma_start3A_406 = tpu.memref_squeeze %dma_start3A_405 : memref<1x16x2048xf32, #tpu.memory_space<vmem>> -> memref<16x2048xf32, #tpu.memory_space<vmem>>
        %dma_start3A_407 = arith.constant 0 : i32
        %dma_start3A_408 = tpu.memref_slice %arg5[%select_n3A_402, %and3A_399, %dma_start3A_407] : memref<1024x16x2048xf32, #tpu.memory_space<hbm>> -> memref<16x1x2048xf32, #tpu.memory_space<hbm>>
        %dma_start3A_409 = tpu.memref_squeeze %dma_start3A_408 : memref<16x1x2048xf32, #tpu.memory_space<hbm>> -> memref<16x2048xf32, #tpu.memory_space<hbm>>
        %dma_start3A_410 = arith.constant 0 : i32
        %dma_start3A_411 = tpu.memref_slice %arg5[%select_n3A_402, %and3A_399, %dma_start3A_410] : memref<1024x16x2048xf32, #tpu.memory_space<hbm>> -> memref<16x1x2048xf32, #tpu.memory_space<hbm>>
        %dma_start3A_412 = tpu.memref_squeeze %dma_start3A_411 : memref<16x1x2048xf32, #tpu.memory_space<hbm>> -> memref<16x2048xf32, #tpu.memory_space<hbm>>
        %dma_start3A_413 = arith.constant 0 : i32
        %dma_start3A_414 = arith.constant 0 : i32
        %dma_start3A_415 = tpu.memref_slice %arg9[%dma_start3A, %dma_start3A_413, %dma_start3A_414] : memref<2x16x2048xf32, #tpu.memory_space<vmem>> -> memref<1x16x2048xf32, #tpu.memory_space<vmem>>
        %dma_start3A_416 = tpu.memref_squeeze %dma_start3A_415 : memref<1x16x2048xf32, #tpu.memory_space<vmem>> -> memref<16x2048xf32, #tpu.memory_space<vmem>>
        tpu.enqueue_dma source(%dma_start3A_416 : memref<16x2048xf32, #tpu.memory_space<vmem>>) target(%dma_start3A_412 : memref<16x2048xf32, #tpu.memory_space<hbm>>) target_semaphore(%arg13 : memref<!tpu.dma_semaphore, #tpu.memory_space<semaphore_mem>>)
      } else {
      }
      %not3A = arith.constant true
      %not3A_320 = arith.xori %lt3A_316, %not3A : i1
      %convert_element_type3A_321 = arith.extui %not3A_320 : i1 to i32
      %cond3A_322 = arith.constant 0 : i32
      %cond3A_323 = arith.cmpi ne, %convert_element_type3A_321, %cond3A_322 : i32
      scf.if %cond3A_323 {
        %mul3A_364 = arith.constant 16 : i32
        %mul3A_365 = arith.muli %add3A, %mul3A_364 : i32
        %sub3A_366 = arith.constant 63 : i32
        %sub3A_367 = arith.subi %sub3A_366, %add3A : i32
        %mul3A_368 = arith.constant 16 : i32
        %mul3A_369 = arith.muli %sub3A_367, %mul3A_368 : i32
        %shift_right_arithmetic3A_370 = arith.constant 4 : i32
        %shift_right_arithmetic3A_371 = arith.shrsi %add3A_263, %shift_right_arithmetic3A_370 : i32
        %and3A_372 = arith.constant 15 : i32
        %and3A_373 = arith.andi %add3A_263, %and3A_372 : i32
        %eq3A_374 = arith.constant 0 : i32
        %eq3A_375 = arith.cmpi eq, %shift_right_arithmetic3A_371, %eq3A_374 : i32
        %select_n3A_376 = arith.select %eq3A_375, %mul3A_365, %mul3A_369 : i32
        %dma_start3A = arith.constant 0 : i32
        %dma_start3A_377 = tpu.memref_slice %arg5[%select_n3A_376, %and3A_373, %dma_start3A] : memref<1024x16x2048xf32, #tpu.memory_space<hbm>> -> memref<16x1x2048xf32, #tpu.memory_space<hbm>>
        %dma_start3A_378 = tpu.memref_squeeze %dma_start3A_377 : memref<16x1x2048xf32, #tpu.memory_space<hbm>> -> memref<16x2048xf32, #tpu.memory_space<hbm>>
        %dma_start3A_379 = arith.constant 0 : i32
        %dma_start3A_380 = tpu.memref_slice %arg5[%select_n3A_376, %and3A_373, %dma_start3A_379] : memref<1024x16x2048xf32, #tpu.memory_space<hbm>> -> memref<16x1x2048xf32, #tpu.memory_space<hbm>>
        %dma_start3A_381 = tpu.memref_squeeze %dma_start3A_380 : memref<16x1x2048xf32, #tpu.memory_space<hbm>> -> memref<16x2048xf32, #tpu.memory_space<hbm>>
        tpu.enqueue_dma source(%arg10 : memref<16x2048xf32, #tpu.memory_space<vmem>>) target(%dma_start3A_381 : memref<16x2048xf32, #tpu.memory_space<hbm>>) target_semaphore(%arg13 : memref<!tpu.dma_semaphore, #tpu.memory_space<semaphore_mem>>)
      } else {
      }
      %add3A_324 = arith.constant 1 : i32
      %add3A_325 = arith.addi %add3A_261, %add3A_324 : i32
      %add3A_326 = arith.constant 1 : i32
      %add3A_327 = arith.addi %add3A_325, %add3A_326 : i32
      %lt3A_328 = arith.constant 32 : i32
      %lt3A_329 = arith.cmpi slt, %add3A_327, %lt3A_328 : i32
      %convert_element_type3A_330 = arith.extui %lt3A_329 : i1 to i32
      %cond3A_331 = arith.constant 0 : i32
      %cond3A_332 = arith.cmpi ne, %convert_element_type3A_330, %cond3A_331 : i32
      scf.if %cond3A_332 {
        %ge3A_364 = arith.constant 1 : i32
        %ge3A_365 = arith.cmpi sge, %add3A_325, %ge3A_364 : i32
        %convert_element_type3A_366 = arith.extui %ge3A_365 : i1 to i32
        %cond3A_367 = arith.constant 0 : i32
        %cond3A_368 = arith.cmpi ne, %convert_element_type3A_366, %cond3A_367 : i32
        scf.if %cond3A_368 {
          %sub3A_397 = arith.constant 1 : i32
          %sub3A_398 = arith.subi %add3A_325, %sub3A_397 : i32
          %mul3A_399 = arith.constant 16 : i32
          %mul3A_400 = arith.muli %add3A, %mul3A_399 : i32
          %sub3A_401 = arith.constant 63 : i32
          %sub3A_402 = arith.subi %sub3A_401, %add3A : i32
          %mul3A_403 = arith.constant 16 : i32
          %mul3A_404 = arith.muli %sub3A_402, %mul3A_403 : i32
          %shift_right_arithmetic3A_405 = arith.constant 4 : i32
          %shift_right_arithmetic3A_406 = arith.shrsi %sub3A_398, %shift_right_arithmetic3A_405 : i32
          %and3A_407 = arith.constant 15 : i32
          %and3A_408 = arith.andi %sub3A_398, %and3A_407 : i32
          %eq3A_409 = arith.constant 0 : i32
          %eq3A_410 = arith.cmpi eq, %shift_right_arithmetic3A_406, %eq3A_409 : i32
          %select_n3A_411 = arith.select %eq3A_410, %mul3A_400, %mul3A_404 : i32
          %dma_wait3A_412 = arith.constant 0 : i32
          %dma_wait3A_413 = arith.constant 0 : i32
          %dma_wait3A_414 = arith.constant 0 : i32
          %dma_wait3A_415 = tpu.memref_slice %arg9[%dma_wait3A_412, %dma_wait3A_413, %dma_wait3A_414] : memref<2x16x2048xf32, #tpu.memory_space<vmem>> -> memref<1x16x2048xf32, #tpu.memory_space<vmem>>
          %dma_wait3A_416 = tpu.memref_squeeze %dma_wait3A_415 : memref<1x16x2048xf32, #tpu.memory_space<vmem>> -> memref<16x2048xf32, #tpu.memory_space<vmem>>
          %dma_wait3A_417 = arith.constant 0 : i32
          %dma_wait3A_418 = tpu.memref_slice %arg5[%select_n3A_411, %and3A_408, %dma_wait3A_417] : memref<1024x16x2048xf32, #tpu.memory_space<hbm>> -> memref<16x1x2048xf32, #tpu.memory_space<hbm>>
          %dma_wait3A_419 = tpu.memref_squeeze %dma_wait3A_418 : memref<16x1x2048xf32, #tpu.memory_space<hbm>> -> memref<16x2048xf32, #tpu.memory_space<hbm>>
          %dma_wait3A_420 = arith.constant 0 : i32
          %dma_wait3A_421 = tpu.memref_slice %arg5[%select_n3A_411, %and3A_408, %dma_wait3A_420] : memref<1024x16x2048xf32, #tpu.memory_space<hbm>> -> memref<16x1x2048xf32, #tpu.memory_space<hbm>>
          %dma_wait3A_422 = tpu.memref_squeeze %dma_wait3A_421 : memref<16x1x2048xf32, #tpu.memory_space<hbm>> -> memref<16x2048xf32, #tpu.memory_space<hbm>>
          %dma_wait3A_423 = arith.constant 0 : i32
          %dma_wait3A_424 = arith.constant 0 : i32
          %dma_wait3A_425 = tpu.memref_slice %arg9[%dma_wait3A_412, %dma_wait3A_423, %dma_wait3A_424] : memref<2x16x2048xf32, #tpu.memory_space<vmem>> -> memref<1x16x2048xf32, #tpu.memory_space<vmem>>
          %dma_wait3A_426 = tpu.memref_squeeze %dma_wait3A_425 : memref<1x16x2048xf32, #tpu.memory_space<vmem>> -> memref<16x2048xf32, #tpu.memory_space<vmem>>
          tpu.wait_dma2 semaphore(%arg13 : memref<!tpu.dma_semaphore, #tpu.memory_space<semaphore_mem>>) src(%dma_wait3A_426 : memref<16x2048xf32, #tpu.memory_space<vmem>>) dst(%dma_wait3A_422 : memref<16x2048xf32, #tpu.memory_space<hbm>>)
        } else {
        }
        %add3A_369 = arith.constant 1 : i32
        %add3A_370 = arith.addi %add3A_325, %add3A_369 : i32
        %mul3A_371 = arith.constant 16 : i32
        %mul3A_372 = arith.muli %add3A, %mul3A_371 : i32
        %sub3A_373 = arith.constant 63 : i32
        %sub3A_374 = arith.subi %sub3A_373, %add3A : i32
        %mul3A_375 = arith.constant 16 : i32
        %mul3A_376 = arith.muli %sub3A_374, %mul3A_375 : i32
        %shift_right_arithmetic3A_377 = arith.constant 4 : i32
        %shift_right_arithmetic3A_378 = arith.shrsi %add3A_370, %shift_right_arithmetic3A_377 : i32
        %and3A_379 = arith.constant 15 : i32
        %and3A_380 = arith.andi %add3A_370, %and3A_379 : i32
        %eq3A_381 = arith.constant 0 : i32
        %eq3A_382 = arith.cmpi eq, %shift_right_arithmetic3A_378, %eq3A_381 : i32
        %select_n3A_383 = arith.select %eq3A_382, %mul3A_372, %mul3A_376 : i32
        %get3A_384 = arith.index_cast %and3A_380 : i32 to index
        %get3A_385 = arith.constant 0 : index
        %get3A_386 = tpu.vector_load %arg7[%get3A_384, %get3A_385] {strides = array<i32>} : memref<16x16xi32, #tpu.memory_space<vmem>>, vector<1x16xi32>,
        %get3A_387 = vector.shape_cast %get3A_386 : vector<1x16xi32> to vector<16xi32>
        %shift_right_arithmetic3A_388 = arith.constant 1 : i32
        %shift_right_arithmetic3A_389 = vector.broadcast %shift_right_arithmetic3A_388 : i32 to vector<16xi32>
        %shift_right_arithmetic3A_390 = arith.shrsi %get3A_387, %shift_right_arithmetic3A_389 : vector<16xi32>
        %slice3A_391 = vector.extract_strided_slice %shift_right_arithmetic3A_390 {offsets = [0], sizes = [1], strides = [1]} : vector<16xi32> to vector<1xi32>
        %squeeze3A_392 = vector.extract %slice3A_391[0] : i32 from vector<1xi32>
        %lt3A_393 = arith.cmpi slt, %select_n3A_383, %squeeze3A_392 : i32
        %convert_element_type3A_394 = arith.extui %lt3A_393 : i1 to i32
        %cond3A_395 = arith.constant 0 : i32
        %cond3A_396 = arith.cmpi ne, %convert_element_type3A_394, %cond3A_395 : i32
        scf.if %cond3A_396 {
          %mul3A_397 = arith.constant 16 : i32
          %mul3A_398 = arith.muli %add3A, %mul3A_397 : i32
          %sub3A_399 = arith.constant 63 : i32
          %sub3A_400 = arith.subi %sub3A_399, %add3A : i32
          %mul3A_401 = arith.constant 16 : i32
          %mul3A_402 = arith.muli %sub3A_400, %mul3A_401 : i32
          %shift_right_arithmetic3A_403 = arith.constant 4 : i32
          %shift_right_arithmetic3A_404 = arith.shrsi %add3A_370, %shift_right_arithmetic3A_403 : i32
          %and3A_405 = arith.constant 15 : i32
          %and3A_406 = arith.andi %add3A_370, %and3A_405 : i32
          %eq3A_407 = arith.constant 0 : i32
          %eq3A_408 = arith.cmpi eq, %shift_right_arithmetic3A_404, %eq3A_407 : i32
          %select_n3A_409 = arith.select %eq3A_408, %mul3A_398, %mul3A_402 : i32
          %get3A_410 = arith.index_cast %and3A_406 : i32 to index
          %get3A_411 = arith.constant 0 : index
          %get3A_412 = tpu.vector_load %arg7[%get3A_410, %get3A_411] {strides = array<i32>} : memref<16x16xi32, #tpu.memory_space<vmem>>, vector<1x16xi32>,
          %get3A_413 = vector.shape_cast %get3A_412 : vector<1x16xi32> to vector<16xi32>
          %add3A_414 = vector.broadcast %select_n3A_409 : i32 to vector<16xi32>
          %add3A_415 = arith.addi %add3A_414, %iota3A : vector<16xi32>
          %shift_right_arithmetic3A_416 = arith.constant 1 : i32
          %shift_right_arithmetic3A_417 = vector.broadcast %shift_right_arithmetic3A_416 : i32 to vector<16xi32>
          %shift_right_arithmetic3A_418 = arith.shrsi %get3A_413, %shift_right_arithmetic3A_417 : vector<16xi32>
          %le3A = arith.cmpi sle, %shift_right_arithmetic3A_418, %add3A_415 : vector<16xi32>
          %mul3A_419 = arith.constant 2 : i32
          %mul3A_420 = vector.broadcast %mul3A_419 : i32 to vector<16xi32>
          %mul3A_421 = arith.muli %mul3A_420, %add3A_415 : vector<16xi32>
          %add3A_422 = arith.constant 0 : i32
          %add3A_423 = vector.broadcast %add3A_422 : i32 to vector<16xi32>
          %add3A_424 = arith.addi %mul3A_421, %add3A_423 : vector<16xi32>
          %max3A = arith.maxsi %add3A_424, %get3A_413 : vector<16xi32>
          %select_n3A_425 = arith.select %le3A, %max3A, %add3A_424 : vector<16xi1>, vector<16xi32>
          %mul3A_426 = arith.constant 16 : i32
          %mul3A_427 = vector.broadcast %mul3A_426 : i32 to vector<16xi32>
          %mul3A_428 = arith.muli %select_n3A_425, %mul3A_427 : vector<16xi32>
          %add3A_429 = vector.broadcast %and3A_406 : i32 to vector<16xi32>
          %add3A_430 = arith.addi %mul3A_428, %add3A_429 : vector<16xi32>
          %swap3A_431 = arith.constant 0 : i32
          %swap3A_432 = arith.constant 0 : i32
          %swap3A_433 = arith.index_cast %swap3A_431 : i32 to index
          %swap3A_434 = arith.index_cast %swap3A_432 : i32 to index
          %swap3A_435 = arith.constant 0 : index
          %swap3A_436 = tpu.vector_load %arg8[%swap3A_433, %swap3A_434, %swap3A_435] {strides = array<i32>} : memref<2x2x16xi32, #tpu.memory_space<vmem>>, vector<1x1x16xi32>,
          %swap3A_437 = vector.shape_cast %swap3A_436 : vector<1x1x16xi32> to vector<16xi32>
          %swap3A_438 = vector.shape_cast %add3A_430 : vector<16xi32> to vector<1x1x16xi32>
          tpu.vector_store %arg8[%swap3A_433, %swap3A_434, %swap3A_435], %swap3A_438 {strides = array<i32>} : memref<2x2x16xi32, #tpu.memory_space<vmem>>, vector<1x1x16xi32>,
          %mul3A_439 = arith.constant 2 : i32
          %mul3A_440 = vector.broadcast %mul3A_439 : i32 to vector<16xi32>
          %mul3A_441 = arith.muli %mul3A_440, %add3A_415 : vector<16xi32>
          %add3A_442 = arith.constant 1 : i32
          %add3A_443 = vector.broadcast %add3A_442 : i32 to vector<16xi32>
          %add3A_444 = arith.addi %mul3A_441, %add3A_443 : vector<16xi32>
          %max3A_445 = arith.maxsi %add3A_444, %get3A_413 : vector<16xi32>
          %select_n3A_446 = arith.select %le3A, %max3A_445, %add3A_444 : vector<16xi1>, vector<16xi32>
          %mul3A_447 = arith.constant 16 : i32
          %mul3A_448 = vector.broadcast %mul3A_447 : i32 to vector<16xi32>
          %mul3A_449 = arith.muli %select_n3A_446, %mul3A_448 : vector<16xi32>
          %add3A_450 = vector.broadcast %and3A_406 : i32 to vector<16xi32>
          %add3A_451 = arith.addi %mul3A_449, %add3A_450 : vector<16xi32>
          %swap3A_452 = arith.constant 0 : i32
          %swap3A_453 = arith.constant 1 : i32
          %swap3A_454 = arith.index_cast %swap3A_452 : i32 to index
          %swap3A_455 = arith.index_cast %swap3A_453 : i32 to index
          %swap3A_456 = arith.constant 0 : index
          %swap3A_457 = tpu.vector_load %arg8[%swap3A_454, %swap3A_455, %swap3A_456] {strides = array<i32>} : memref<2x2x16xi32, #tpu.memory_space<vmem>>, vector<1x1x16xi32>,
          %swap3A_458 = vector.shape_cast %swap3A_457 : vector<1x1x16xi32> to vector<16xi32>
          %swap3A_459 = vector.shape_cast %add3A_451 : vector<16xi32> to vector<1x1x16xi32>
          tpu.vector_store %arg8[%swap3A_454, %swap3A_455, %swap3A_456], %swap3A_459 {strides = array<i32>} : memref<2x2x16xi32, #tpu.memory_space<vmem>>, vector<1x1x16xi32>,
          %dma_start3A = arith.constant 0 : i32
          %dma_start3A_460 = arith.constant 0 : i32
          %dma_start3A_461 = arith.constant 0 : i32
          %dma_start3A_462 = arith.constant 0 : i32
          %dma_start3A_463 = arith.constant 0 : i32
          %dma_start3A_464 = tpu.memref_slice %arg9[%dma_start3A_461, %dma_start3A_462, %dma_start3A_463] : memref<2x16x2048xf32, #tpu.memory_space<vmem>> -> memref<1x16x1024xf32, #tpu.memory_space<vmem>>
          %dma_start3A_465 = tpu.memref_squeeze %dma_start3A_464 : memref<1x16x1024xf32, #tpu.memory_space<vmem>> -> memref<16x1024xf32, #tpu.memory_space<vmem>>
          %dma_start3A_466 = arith.constant 0 : i32
          %dma_start3A_467 = tpu.memref_slice %arg8[%dma_start3A, %dma_start3A_460, %dma_start3A_466] : memref<2x2x16xi32, #tpu.memory_space<vmem>> -> memref<1x1x16xi32, #tpu.memory_space<vmem>>
          %dma_start3A_468 = tpu.memref_squeeze %dma_start3A_467 : memref<1x1x16xi32, #tpu.memory_space<vmem>> -> memref<16xi32, #tpu.memory_space<vmem>>
          %dma_start3A_469 = arith.constant 0 : i32
          %dma_start3A_470 = arith.constant 0 : i32
          %dma_start3A_471 = tpu.memref_slice %arg2[%dma_start3A_469, %dma_start3A_470] : memref<32768x1024xf32, #tpu.memory_space<hbm>> -> memref<32768x1024xf32, #tpu.memory_space<hbm>>
          tpu.enqueue_indirect_dma source(%dma_start3A_471 : memref<32768x1024xf32, #tpu.memory_space<hbm>>) target(%dma_start3A_465 : memref<16x1024xf32, #tpu.memory_space<vmem>>) offsets(%dma_start3A_468 : memref<16xi32, #tpu.memory_space<vmem>>) semaphore(%arg11 : memref<!tpu.dma_semaphore, #tpu.memory_space<semaphore_mem>>)
          %dma_start3A_472 = arith.constant 0 : i32
          %dma_start3A_473 = arith.constant 1 : i32
          %dma_start3A_474 = arith.constant 0 : i32
          %dma_start3A_475 = arith.constant 0 : i32
          %dma_start3A_476 = arith.constant 1024 : i32
          %dma_start3A_477 = tpu.memref_slice %arg9[%dma_start3A_474, %dma_start3A_475, %dma_start3A_476] : memref<2x16x2048xf32, #tpu.memory_space<vmem>> -> memref<1x16x1024xf32, #tpu.memory_space<vmem>>
          %dma_start3A_478 = tpu.memref_squeeze %dma_start3A_477 : memref<1x16x1024xf32, #tpu.memory_space<vmem>> -> memref<16x1024xf32, #tpu.memory_space<vmem>>
          %dma_start3A_479 = arith.constant 0 : i32
          %dma_start3A_480 = tpu.memref_slice %arg8[%dma_start3A_472, %dma_start3A_473, %dma_start3A_479] : memref<2x2x16xi32, #tpu.memory_space<vmem>> -> memref<1x1x16xi32, #tpu.memory_space<vmem>>
          %dma_start3A_481 = tpu.memref_squeeze %dma_start3A_480 : memref<1x1x16xi32, #tpu.memory_space<vmem>> -> memref<16xi32, #tpu.memory_space<vmem>>
          %dma_start3A_482 = arith.constant 0 : i32
          %dma_start3A_483 = arith.constant 0 : i32
          %dma_start3A_484 = tpu.memref_slice %arg2[%dma_start3A_482, %dma_start3A_483] : memref<32768x1024xf32, #tpu.memory_space<hbm>> -> memref<32768x1024xf32, #tpu.memory_space<hbm>>
          tpu.enqueue_indirect_dma source(%dma_start3A_484 : memref<32768x1024xf32, #tpu.memory_space<hbm>>) target(%dma_start3A_478 : memref<16x1024xf32, #tpu.memory_space<vmem>>) offsets(%dma_start3A_481 : memref<16xi32, #tpu.memory_space<vmem>>) semaphore(%arg11 : memref<!tpu.dma_semaphore, #tpu.memory_space<semaphore_mem>>)
        } else {
        }
      } else {
      }
      %mul3A_333 = arith.constant 16 : i32
      %mul3A_334 = arith.muli %add3A, %mul3A_333 : i32
      %sub3A_335 = arith.constant 63 : i32
      %sub3A_336 = arith.subi %sub3A_335, %add3A : i32
      %mul3A_337 = arith.constant 16 : i32
      %mul3A_338 = arith.muli %sub3A_336, %mul3A_337 : i32
      %shift_right_arithmetic3A_339 = arith.constant 4 : i32
      %shift_right_arithmetic3A_340 = arith.shrsi %add3A_325, %shift_right_arithmetic3A_339 : i32
      %and3A_341 = arith.constant 15 : i32
      %and3A_342 = arith.andi %add3A_325, %and3A_341 : i32
      %eq3A_343 = arith.constant 0 : i32
      %eq3A_344 = arith.cmpi eq, %shift_right_arithmetic3A_340, %eq3A_343 : i32
      %select_n3A_345 = arith.select %eq3A_344, %mul3A_334, %mul3A_338 : i32
      %get3A_346 = arith.index_cast %and3A_342 : i32 to index
      %get3A_347 = arith.constant 0 : index
      %get3A_348 = tpu.vector_load %arg7[%get3A_346, %get3A_347] {strides = array<i32>} : memref<16x16xi32, #tpu.memory_space<vmem>>, vector<1x16xi32>,
      %get3A_349 = vector.shape_cast %get3A_348 : vector<1x16xi32> to vector<16xi32>
      %shift_right_arithmetic3A_350 = arith.constant 1 : i32
      %shift_right_arithmetic3A_351 = vector.broadcast %shift_right_arithmetic3A_350 : i32 to vector<16xi32>
      %shift_right_arithmetic3A_352 = arith.shrsi %get3A_349, %shift_right_arithmetic3A_351 : vector<16xi32>
      %slice3A_353 = vector.extract_strided_slice %shift_right_arithmetic3A_352 {offsets = [0], sizes = [1], strides = [1]} : vector<16xi32> to vector<1xi32>
      %squeeze3A_354 = vector.extract %slice3A_353[0] : i32 from vector<1xi32>
      %lt3A_355 = arith.cmpi slt, %select_n3A_345, %squeeze3A_354 : i32
      %convert_element_type3A_356 = arith.extui %lt3A_355 : i1 to i32
      %cond3A_357 = arith.constant 0 : i32
      %cond3A_358 = arith.cmpi ne, %convert_element_type3A_356, %cond3A_357 : i32
      scf.if %cond3A_358 {
        %dma_wait3A_364 = arith.constant 1 : i32
        %dma_wait3A_365 = arith.constant 0 : i32
        %dma_wait3A_366 = arith.constant 1 : i32
        %dma_wait3A_367 = arith.constant 0 : i32
        %dma_wait3A_368 = arith.constant 0 : i32
        %dma_wait3A_369 = tpu.memref_slice %arg9[%dma_wait3A_366, %dma_wait3A_367, %dma_wait3A_368] : memref<2x16x2048xf32, #tpu.memory_space<vmem>> -> memref<1x16x1024xf32, #tpu.memory_space<vmem>>
        %dma_wait3A_370 = tpu.memref_squeeze %dma_wait3A_369 : memref<1x16x1024xf32, #tpu.memory_space<vmem>> -> memref<16x1024xf32, #tpu.memory_space<vmem>>
        %dma_wait3A_371 = arith.constant 0 : i32
        %dma_wait3A_372 = tpu.memref_slice %arg8[%dma_wait3A_364, %dma_wait3A_365, %dma_wait3A_371] : memref<2x2x16xi32, #tpu.memory_space<vmem>> -> memref<1x1x16xi32, #tpu.memory_space<vmem>>
        %dma_wait3A_373 = tpu.memref_squeeze %dma_wait3A_372 : memref<1x1x16xi32, #tpu.memory_space<vmem>> -> memref<16xi32, #tpu.memory_space<vmem>>
        %dma_wait3A_374 = arith.constant 0 : i32
        %dma_wait3A_375 = arith.constant 0 : i32
        %dma_wait3A_376 = tpu.memref_slice %arg2[%dma_wait3A_374, %dma_wait3A_375] : memref<32768x1024xf32, #tpu.memory_space<hbm>> -> memref<32768x1024xf32, #tpu.memory_space<hbm>>
        tpu.wait_indirect_dma semaphore(%arg12 : memref<!tpu.dma_semaphore, #tpu.memory_space<semaphore_mem>>) src(%dma_wait3A_376 : memref<32768x1024xf32, #tpu.memory_space<hbm>>) dst(%dma_wait3A_370 : memref<16x1024xf32, #tpu.memory_space<vmem>>)
        %dma_wait3A_377 = arith.constant 1 : i32
        %dma_wait3A_378 = arith.constant 1 : i32
        %dma_wait3A_379 = arith.constant 1 : i32
        %dma_wait3A_380 = arith.constant 0 : i32
        %dma_wait3A_381 = arith.constant 1024 : i32
        %dma_wait3A_382 = tpu.memref_slice %arg9[%dma_wait3A_379, %dma_wait3A_380, %dma_wait3A_381] : memref<2x16x2048xf32, #tpu.memory_space<vmem>> -> memref<1x16x1024xf32, #tpu.memory_space<vmem>>
        %dma_wait3A_383 = tpu.memref_squeeze %dma_wait3A_382 : memref<1x16x1024xf32, #tpu.memory_space<vmem>> -> memref<16x1024xf32, #tpu.memory_space<vmem>>
        %dma_wait3A_384 = arith.constant 0 : i32
        %dma_wait3A_385 = tpu.memref_slice %arg8[%dma_wait3A_377, %dma_wait3A_378, %dma_wait3A_384] : memref<2x2x16xi32, #tpu.memory_space<vmem>> -> memref<1x1x16xi32, #tpu.memory_space<vmem>>
        %dma_wait3A_386 = tpu.memref_squeeze %dma_wait3A_385 : memref<1x1x16xi32, #tpu.memory_space<vmem>> -> memref<16xi32, #tpu.memory_space<vmem>>
        %dma_wait3A_387 = arith.constant 0 : i32
        %dma_wait3A_388 = arith.constant 0 : i32
        %dma_wait3A_389 = tpu.memref_slice %arg2[%dma_wait3A_387, %dma_wait3A_388] : memref<32768x1024xf32, #tpu.memory_space<hbm>> -> memref<32768x1024xf32, #tpu.memory_space<hbm>>
        tpu.wait_indirect_dma semaphore(%arg12 : memref<!tpu.dma_semaphore, #tpu.memory_space<semaphore_mem>>) src(%dma_wait3A_389 : memref<32768x1024xf32, #tpu.memory_space<hbm>>) dst(%dma_wait3A_383 : memref<16x1024xf32, #tpu.memory_space<vmem>>)
        %mul3A_390 = arith.constant 16 : i32
        %mul3A_391 = arith.muli %add3A, %mul3A_390 : i32
        %sub3A_392 = arith.constant 63 : i32
        %sub3A_393 = arith.subi %sub3A_392, %add3A : i32
        %mul3A_394 = arith.constant 16 : i32
        %mul3A_395 = arith.muli %sub3A_393, %mul3A_394 : i32
        %shift_right_arithmetic3A_396 = arith.constant 4 : i32
        %shift_right_arithmetic3A_397 = arith.shrsi %add3A_325, %shift_right_arithmetic3A_396 : i32
        %and3A_398 = arith.constant 15 : i32
        %and3A_399 = arith.andi %add3A_325, %and3A_398 : i32
        %eq3A_400 = arith.constant 0 : i32
        %eq3A_401 = arith.cmpi eq, %shift_right_arithmetic3A_397, %eq3A_400 : i32
        %select_n3A_402 = arith.select %eq3A_401, %mul3A_391, %mul3A_395 : i32
        %dma_start3A = arith.constant 1 : i32
        %dma_start3A_403 = arith.constant 0 : i32
        %dma_start3A_404 = arith.constant 0 : i32
        %dma_start3A_405 = tpu.memref_slice %arg9[%dma_start3A, %dma_start3A_403, %dma_start3A_404] : memref<2x16x2048xf32, #tpu.memory_space<vmem>> -> memref<1x16x2048xf32, #tpu.memory_space<vmem>>
        %dma_start3A_406 = tpu.memref_squeeze %dma_start3A_405 : memref<1x16x2048xf32, #tpu.memory_space<vmem>> -> memref<16x2048xf32, #tpu.memory_space<vmem>>
        %dma_start3A_407 = arith.constant 0 : i32
        %dma_start3A_408 = tpu.memref_slice %arg5[%select_n3A_402, %and3A_399, %dma_start3A_407] : memref<1024x16x2048xf32, #tpu.memory_space<hbm>> -> memref<16x1x2048xf32, #tpu.memory_space<hbm>>
        %dma_start3A_409 = tpu.memref_squeeze %dma_start3A_408 : memref<16x1x2048xf32, #tpu.memory_space<hbm>> -> memref<16x2048xf32, #tpu.memory_space<hbm>>
        %dma_start3A_410 = arith.constant 0 : i32
        %dma_start3A_411 = tpu.memref_slice %arg5[%select_n3A_402, %and3A_399, %dma_start3A_410] : memref<1024x16x2048xf32, #tpu.memory_space<hbm>> -> memref<16x1x2048xf32, #tpu.memory_space<hbm>>
        %dma_start3A_412 = tpu.memref_squeeze %dma_start3A_411 : memref<16x1x2048xf32, #tpu.memory_space<hbm>> -> memref<16x2048xf32, #tpu.memory_space<hbm>>
        %dma_start3A_413 = arith.constant 0 : i32
        %dma_start3A_414 = arith.constant 0 : i32
        %dma_start3A_415 = tpu.memref_slice %arg9[%dma_start3A, %dma_start3A_413, %dma_start3A_414] : memref<2x16x2048xf32, #tpu.memory_space<vmem>> -> memref<1x16x2048xf32, #tpu.memory_space<vmem>>
        %dma_start3A_416 = tpu.memref_squeeze %dma_start3A_415 : memref<1x16x2048xf32, #tpu.memory_space<vmem>> -> memref<16x2048xf32, #tpu.memory_space<vmem>>
        tpu.enqueue_dma source(%dma_start3A_416 : memref<16x2048xf32, #tpu.memory_space<vmem>>) target(%dma_start3A_412 : memref<16x2048xf32, #tpu.memory_space<hbm>>) target_semaphore(%arg14 : memref<!tpu.dma_semaphore, #tpu.memory_space<semaphore_mem>>)
      } else {
      }
      %not3A_359 = arith.constant true
      %not3A_360 = arith.xori %lt3A_355, %not3A_359 : i1
      %convert_element_type3A_361 = arith.extui %not3A_360 : i1 to i32
      %cond3A_362 = arith.constant 0 : i32
      %cond3A_363 = arith.cmpi ne, %convert_element_type3A_361, %cond3A_362 : i32
      scf.if %cond3A_363 {
        %mul3A_364 = arith.constant 16 : i32
        %mul3A_365 = arith.muli %add3A, %mul3A_364 : i32
        %sub3A_366 = arith.constant 63 : i32
        %sub3A_367 = arith.subi %sub3A_366, %add3A : i32
        %mul3A_368 = arith.constant 16 : i32
        %mul3A_369 = arith.muli %sub3A_367, %mul3A_368 : i32
        %shift_right_arithmetic3A_370 = arith.constant 4 : i32
        %shift_right_arithmetic3A_371 = arith.shrsi %add3A_325, %shift_right_arithmetic3A_370 : i32
        %and3A_372 = arith.constant 15 : i32
        %and3A_373 = arith.andi %add3A_325, %and3A_372 : i32
        %eq3A_374 = arith.constant 0 : i32
        %eq3A_375 = arith.cmpi eq, %shift_right_arithmetic3A_371, %eq3A_374 : i32
        %select_n3A_376 = arith.select %eq3A_375, %mul3A_365, %mul3A_369 : i32
        %dma_start3A = arith.constant 0 : i32
        %dma_start3A_377 = tpu.memref_slice %arg5[%select_n3A_376, %and3A_373, %dma_start3A] : memref<1024x16x2048xf32, #tpu.memory_space<hbm>> -> memref<16x1x2048xf32, #tpu.memory_space<hbm>>
        %dma_start3A_378 = tpu.memref_squeeze %dma_start3A_377 : memref<16x1x2048xf32, #tpu.memory_space<hbm>> -> memref<16x2048xf32, #tpu.memory_space<hbm>>
        %dma_start3A_379 = arith.constant 0 : i32
        %dma_start3A_380 = tpu.memref_slice %arg5[%select_n3A_376, %and3A_373, %dma_start3A_379] : memref<1024x16x2048xf32, #tpu.memory_space<hbm>> -> memref<16x1x2048xf32, #tpu.memory_space<hbm>>
        %dma_start3A_381 = tpu.memref_squeeze %dma_start3A_380 : memref<16x1x2048xf32, #tpu.memory_space<hbm>> -> memref<16x2048xf32, #tpu.memory_space<hbm>>
        tpu.enqueue_dma source(%arg10 : memref<16x2048xf32, #tpu.memory_space<vmem>>) target(%dma_start3A_381 : memref<16x2048xf32, #tpu.memory_space<hbm>>) target_semaphore(%arg14 : memref<!tpu.dma_semaphore, #tpu.memory_space<semaphore_mem>>)
      } else {
      }
    }
    %scan3A_209 = arith.constant 16 : i32
    %mul3A_210 = arith.constant 16 : i32
    %mul3A_211 = arith.muli %add3A, %mul3A_210 : i32
    %sub3A_212 = arith.constant 63 : i32
    %sub3A_213 = arith.subi %sub3A_212, %add3A : i32
    %mul3A_214 = arith.constant 16 : i32
    %mul3A_215 = arith.muli %sub3A_213, %mul3A_214 : i32
    %jit3A_216 = arith.constant false
    %select_n3A_217 = arith.select %jit3A_216, %mul3A_211, %mul3A_215 : i32
    %dma_wait3A = arith.constant 0 : i32
    %dma_wait3A_218 = arith.constant 14 : i32
    %dma_wait3A_219 = arith.constant 0 : i32
    %dma_wait3A_220 = arith.constant 0 : i32
    %dma_wait3A_221 = tpu.memref_slice %arg9[%dma_wait3A, %dma_wait3A_219, %dma_wait3A_220] : memref<2x16x2048xf32, #tpu.memory_space<vmem>> -> memref<1x16x2048xf32, #tpu.memory_space<vmem>>
    %dma_wait3A_222 = tpu.memref_squeeze %dma_wait3A_221 : memref<1x16x2048xf32, #tpu.memory_space<vmem>> -> memref<16x2048xf32, #tpu.memory_space<vmem>>
    %dma_wait3A_223 = arith.constant 0 : i32
    %dma_wait3A_224 = tpu.memref_slice %arg5[%select_n3A_217, %dma_wait3A_218, %dma_wait3A_223] : memref<1024x16x2048xf32, #tpu.memory_space<hbm>> -> memref<16x1x2048xf32, #tpu.memory_space<hbm>>
    %dma_wait3A_225 = tpu.memref_squeeze %dma_wait3A_224 : memref<16x1x2048xf32, #tpu.memory_space<hbm>> -> memref<16x2048xf32, #tpu.memory_space<hbm>>
    %dma_wait3A_226 = arith.constant 0 : i32
    %dma_wait3A_227 = tpu.memref_slice %arg5[%select_n3A_217, %dma_wait3A_218, %dma_wait3A_226] : memref<1024x16x2048xf32, #tpu.memory_space<hbm>> -> memref<16x1x2048xf32, #tpu.memory_space<hbm>>
    %dma_wait3A_228 = tpu.memref_squeeze %dma_wait3A_227 : memref<16x1x2048xf32, #tpu.memory_space<hbm>> -> memref<16x2048xf32, #tpu.memory_space<hbm>>
    %dma_wait3A_229 = arith.constant 0 : i32
    %dma_wait3A_230 = arith.constant 0 : i32
    %dma_wait3A_231 = tpu.memref_slice %arg9[%dma_wait3A, %dma_wait3A_229, %dma_wait3A_230] : memref<2x16x2048xf32, #tpu.memory_space<vmem>> -> memref<1x16x2048xf32, #tpu.memory_space<vmem>>
    %dma_wait3A_232 = tpu.memref_squeeze %dma_wait3A_231 : memref<1x16x2048xf32, #tpu.memory_space<vmem>> -> memref<16x2048xf32, #tpu.memory_space<vmem>>
    tpu.wait_dma2 semaphore(%arg13 : memref<!tpu.dma_semaphore, #tpu.memory_space<semaphore_mem>>) src(%dma_wait3A_232 : memref<16x2048xf32, #tpu.memory_space<vmem>>) dst(%dma_wait3A_228 : memref<16x2048xf32, #tpu.memory_space<hbm>>)
    %mul3A_233 = arith.constant 16 : i32
    %mul3A_234 = arith.muli %add3A, %mul3A_233 : i32
    %sub3A_235 = arith.constant 63 : i32
    %sub3A_236 = arith.subi %sub3A_235, %add3A : i32
    %mul3A_237 = arith.constant 16 : i32
    %mul3A_238 = arith.muli %sub3A_236, %mul3A_237 : i32
    %jit3A_239 = arith.constant false
    %select_n3A_240 = arith.select %jit3A_239, %mul3A_234, %mul3A_238 : i32
    %dma_wait3A_241 = arith.constant 1 : i32
    %dma_wait3A_242 = arith.constant 15 : i32
    %dma_wait3A_243 = arith.constant 0 : i32
    %dma_wait3A_244 = arith.constant 0 : i32
    %dma_wait3A_245 = tpu.memref_slice %arg9[%dma_wait3A_241, %dma_wait3A_243, %dma_wait3A_244] : memref<2x16x2048xf32, #tpu.memory_space<vmem>> -> memref<1x16x2048xf32, #tpu.memory_space<vmem>>
    %dma_wait3A_246 = tpu.memref_squeeze %dma_wait3A_245 : memref<1x16x2048xf32, #tpu.memory_space<vmem>> -> memref<16x2048xf32, #tpu.memory_space<vmem>>
    %dma_wait3A_247 = arith.constant 0 : i32
    %dma_wait3A_248 = tpu.memref_slice %arg5[%select_n3A_240, %dma_wait3A_242, %dma_wait3A_247] : memref<1024x16x2048xf32, #tpu.memory_space<hbm>> -> memref<16x1x2048xf32, #tpu.memory_space<hbm>>
    %dma_wait3A_249 = tpu.memref_squeeze %dma_wait3A_248 : memref<16x1x2048xf32, #tpu.memory_space<hbm>> -> memref<16x2048xf32, #tpu.memory_space<hbm>>
    %dma_wait3A_250 = arith.constant 0 : i32
    %dma_wait3A_251 = tpu.memref_slice %arg5[%select_n3A_240, %dma_wait3A_242, %dma_wait3A_250] : memref<1024x16x2048xf32, #tpu.memory_space<hbm>> -> memref<16x1x2048xf32, #tpu.memory_space<hbm>>
    %dma_wait3A_252 = tpu.memref_squeeze %dma_wait3A_251 : memref<16x1x2048xf32, #tpu.memory_space<hbm>> -> memref<16x2048xf32, #tpu.memory_space<hbm>>
    %dma_wait3A_253 = arith.constant 0 : i32
    %dma_wait3A_254 = arith.constant 0 : i32
    %dma_wait3A_255 = tpu.memref_slice %arg9[%dma_wait3A_241, %dma_wait3A_253, %dma_wait3A_254] : memref<2x16x2048xf32, #tpu.memory_space<vmem>> -> memref<1x16x2048xf32, #tpu.memory_space<vmem>>
    %dma_wait3A_256 = tpu.memref_squeeze %dma_wait3A_255 : memref<1x16x2048xf32, #tpu.memory_space<vmem>> -> memref<16x2048xf32, #tpu.memory_space<vmem>>
    tpu.wait_dma2 semaphore(%arg14 : memref<!tpu.dma_semaphore, #tpu.memory_space<semaphore_mem>>) src(%dma_wait3A_256 : memref<16x2048xf32, #tpu.memory_space<vmem>>) dst(%dma_wait3A_252 : memref<16x2048xf32, #tpu.memory_space<hbm>>)
    return
  }
}

</mosaic_0001>

<sc_bundles>
// kernel: kernel.3.cloned.1.call-start
scs
__scs_entry_jumppad:
0x0: {  	(pc) =	sbr.rel $0x88, $3  }
0x1: {  	(tag) =	ssettag $0x0;
	lr =	simm.s32 $0x1  }
0x2: {  	[smem:$0x3F9F] =	sst lr;
	_ =	strace $0xD0000000  }
0x3: {  	_ = 	snop  }
0x4: {  	_ = 	snop  }
0x5: {  	_ = 	snop  }
0x6: {  	_ = 	snop  }
0x7: {  	_ = 	snop  }
__scs_overlays_trampoline_lowered:
0x8: {  	[smem:$0x3FAE] =	sst s0  }
0x9: {  	[smem:$0x3FAF] =	sst s1  }
0xa: {  	[smem:$0x3FB0] =	sst s2  }
0xb: {  	[smem:$0x3FB1] =	sst s3  }
0xc: {  	[smem:$0x3FB2] =	sst s4  }
0xd: {  	[smem:$0x3FB3] =	sst s5  }
0xe: {  	[smem:$0x3FB4] =	sst s6  }
0xf: {  	[smem:$0x3FB5] =	sst s7  }
0x10: {  	[smem:$0x3FB6] =	sst s8  }
0x11: {  	[smem:$0x3FB7] =	sst s9;
	s0 =	simm.s32 @!p0 $0x0  }
0x12: {  	s1 =	sld [smem:$0x3F9D];
	s0 =	simm.s32 @p0 $0x1  }
0x13: {  	[smem:$0x3FB8] =	sst s0;
	s0 =	simm.s32 @!p1 $0x0  }
0x14: {  	s2 =	sld [smem:$0x3F9C];
	s0 =	simm.s32 @p1 $0x1  }
0x15: {  	[smem:$0x3FB9] =	sst s0;
	s0 =	simm.s32 @!p2 $0x0  }
0x16: {  	s3 =	sld [smem:$0x3FDB];
	s0 =	simm.s32 @p2 $0x1  }
0x17: {  	s4 =	simm.s32 $0x1BF5;
	[smem:$0x3FBB] =	sst s0  }
0x18: {  	s0 =	sld [smem:$0x3F9E];
	_ =	swait.ge [sflag:s4], $0x0  }
0x19: {  	s7 =	sld [smem:$0x3F9F]  }
0x1a: {  	s8 =	sadd.s32 $0xFFFFE003, lr  }
0x1b: {  	s9 =	sadd.s32 $0xFFFFFEF7, lr;
	s5 =	simm.s32 $0xFFFFFFFF;
	p2 =	slt.u32 s8, $0xFFFFF086  }
0x1c: {  	p1 =	slt.u32 s9, $0xF7A;
	s5 =	simm.s32 @!p2 $0x0  }
0x1d: {  	s5 =	simm.s32 @p1 $0x1;
	p0 =	seq.s32 s7, s2  }
0x1e: {  	s7 =	smul.u32 @!p0 $0xF7A, s2;
	p2 =	seq.s32 @!p0 s5, $0x0  }
0x1f: {  	s9 =	smul.u32 $0xF7A, s1;
	s8 =	simm.s32 @!p0 $0x1BF5;
	p2 =	por !p2, p0  }
0x20: {  	[sflag:s8] =	ssyncset.s32 @!p0 $0xFFFFF086;
	s6 =	sadd.s32 @!p0 s3, s7;
	s7 =	simm.s32 @!p0 $0x108  }
0x21: {  	s3 =	sadd.s32 s3, s9;
	s6 =	sadd.s32 @!p0 $0x88, s6;
	s7 =	simm.s32 @p2 $0x1082  }
0x22: {  	[simem:s7], [sflag:s8] =	dma.local @!p0 [hbm:s6], $0xF7A  }
0x23: {  	s9 =	sor.u32 $0xD0000000, s2;
	s6 =	simm.s32 $0x108;
	_ =	swait.ge @!p0 [sflag:s8], $0x0  }
0x24: {  	s3 =	sadd.s32 $0x88, s3;
	s6 =	simm.s32 @!p1 $0x1082;
	[sflag:s4] =	ssyncset.s32 $0xFFFFF086  }
0x25: {  	[simem:s6], [sflag:s4] =	dma.local [hbm:s3], $0xF7A  }
0x26: {  	[smem:$0x3F9F] =	sst s1;
	(tag) =	ssettag s2;
	_ =	strace s9  }
0x27: {  	s1 =	sld [smem:$0x3FAF]  }
0x28: {  	s2 =	sld [smem:$0x3FB0]  }
0x29: {  	s4 =	sld [smem:$0x3FB2]  }
0x2a: {  	p0 =	seq.s32 s5, $0x0;
	s5 =	sld [smem:$0x3FB3]  }
0x2b: {  	s6 =	sld [smem:$0x3FB4]  }
0x2c: {  	s7 =	sld [smem:$0x3FB5]  }
0x2d: {  	s3 =	simm.s32 $0x108;
	s8 =	sld [smem:$0x3FB6]  }
0x2e: {  	s3 =	simm.s32 @!p0 $0x1082;
	s9 =	sld [smem:$0x3FB7]  }
0x2f: {  	lr =	sadd.s32 s0, s3;
	s0 =	sld [smem:$0x3FAE]  }
0x30: {  	s3 =	sld [smem:$0x3FB1]  }
0x31: {  	[smem:$0x3FBA] =	sst s10  }
0x32: {  	s10 =	sld [smem:$0x3FB8];
	_ =	sdelay $0x3  }
0x33: {  	p0 =	seq.s32 s10, $0x1;
	s10 =	sld [smem:$0x3FBA];
	_ =	sdelay $0x3  }
0x34: {  	[smem:$0x3FBA] =	sst s10  }
0x35: {  	s10 =	sld [smem:$0x3FB9];
	_ =	sdelay $0x3  }
0x36: {  	p1 =	seq.s32 s10, $0x1;
	s10 =	sld [smem:$0x3FBA];
	_ =	sdelay $0x3  }
0x37: {  	[smem:$0x3FBA] =	sst s10  }
0x38: {  	s10 =	sld [smem:$0x3FBB]  }
0x39: {  	_ = 	snop;
	(pc) =	sbr.ind lr, $3  }
0x3a: {  	_ = 	snop  }
0x3b: {  	_ = 	snop  }
0x3c: {  	p2 =	seq.s32 s10, $0x1;
	s10 =	sld [smem:$0x3FBA]  }
0x3d: {  	_ =	shalt  }
0x3e: {  	_ =	shalt  }
0x3f: {  	_ =	shalt  }
0x40: {  	_ =	shalt  }
0x41: {  	_ =	shalt  }
0x42: {  	_ =	shalt  }
0x43: {  	_ =	shalt  }
0x44: {  	_ =	shalt  }
0x45: {  	_ =	shalt  }
0x46: {  	_ =	shalt  }
0x47: {  	_ =	shalt  }
0x48: {  	_ =	shalt  }
0x49: {  	_ =	shalt  }
0x4a: {  	_ =	shalt  }
0x4b: {  	_ =	shalt  }
0x4c: {  	_ =	shalt  }
0x4d: {  	_ =	shalt  }
0x4e: {  	_ =	shalt  }
0x4f: {  	_ =	shalt  }
0x50: {  	_ =	shalt  }
0x51: {  	_ =	shalt  }
0x52: {  	_ =	shalt  }
0x53: {  	_ =	shalt  }
0x54: {  	_ =	shalt  }
0x55: {  	_ =	shalt  }
0x56: {  	_ =	shalt  }
0x57: {  	_ =	shalt  }
0x58: {  	_ =	shalt  }
0x59: {  	_ =	shalt  }
0x5a: {  	_ =	shalt  }
0x5b: {  	_ =	shalt  }
0x5c: {  	_ =	shalt  }
0x5d: {  	_ =	shalt  }
0x5e: {  	_ =	shalt  }
0x5f: {  	_ =	shalt  }
0x60: {  	_ =	shalt  }
0x61: {  	_ =	shalt  }
0x62: {  	_ =	shalt  }
0x63: {  	_ =	shalt  }
0x64: {  	_ =	shalt  }
0x65: {  	_ =	shalt  }
0x66: {  	_ =	shalt  }
0x67: {  	_ =	shalt  }
0x68: {  	_ =	shalt  }
0x69: {  	_ =	shalt  }
0x6a: {  	_ =	shalt  }
0x6b: {  	_ =	shalt  }
0x6c: {  	_ =	shalt  }
0x6d: {  	_ =	shalt  }
0x6e: {  	_ =	shalt  }
0x6f: {  	_ =	shalt  }
0x70: {  	_ =	shalt  }
0x71: {  	_ =	shalt  }
0x72: {  	_ =	shalt  }
0x73: {  	_ =	shalt  }
0x74: {  	_ =	shalt  }
0x75: {  	_ =	shalt  }
0x76: {  	_ =	shalt  }
0x77: {  	_ =	shalt  }
0x78: {  	_ =	shalt  }
0x79: {  	_ =	shalt  }
0x7a: {  	_ =	shalt  }
0x7b: {  	_ =	shalt  }
0x7c: {  	_ =	shalt  }
0x7d: {  	_ =	shalt  }
0x7e: {  	_ =	shalt  }
0x7f: {  	_ =	shalt  }
0x80: {  	_ =	shalt  }
0x81: {  	_ =	shalt  }
0x82: {  	_ =	shalt  }
0x83: {  	_ =	shalt  }
0x84: {  	_ =	shalt  }
0x85: {  	_ =	shalt  }
0x86: {  	_ =	shalt  }
0x87: {  	_ =	shalt  }
.Lfunc_end0:
.L_simem_size_0:
called_computation_lowered:
.L_overlay_start_0:
0x88: {  	s2 =	sld [smem:$0x3FD9]  }
0x89: {  	s3 =	sld [smem:$0x3FFE];
	_ =	sdelay $0x1  }
0x8a: {  	s1 =	srdreg.scid  }
0x8b: {  	s0 =	sand.u32 $0x1, s1  }
0x8c: {  	s14 =	sshll.u32 s0, $0xA;
	s2 =	sadd.s32 s3, s2  }
0x8d: {  	s2 =	sadd.s32 s2, s14  }
0x8e: {  	[smem:$0x3FC6] =	sst s2  }
0x8f: {  	_ = 	snop  }
0x90: {  	s2 =	sld [smem:$0x3FD0];
	_ =	sdelay $0x1  }
0x91: {  	s15 =	sld [smem:$0x3FC9]  }
0x92: {  	s5 =	simm.s32 $0xA;
	s6 =	simm.s32 $0x10;
	s4 =	sld [smem:$0x3FC8]  }
0x93: {  	[smem:s6], [sflag:s5] =	dma.local [hbm:s2], $0x1  }
0x94: {  	_ =	swait.eq [sflag:s5], $0x1  }
0x95: {  	[sflag:s5] =	ssyncset.done $0x0  }
0x96: {  	[sflag:s5] =	ssyncadd.s32 $0xFFFFFFFF  }
0x97: {  	s16 =	sld [smem:$0x10];
	(tm) =	ssettm $0x1  }
0x98: {  	s17 =	sld [smem:$0x3FFB];
	_ =	sdelay $0x3  }
0x99: {  	_ =	strace s17  }
0x9a: {  	s5 =	sld [smem:$0x3FFC];
	_ =	sdelay $0x3  }
0x9b: {  	_ =	strace s5  }
0x9c: {  	s5 =	sld [smem:$0x3FFD];
	_ =	sdelay $0x3  }
0x9d: {  	_ =	strace s5  }
0x9e: {  	_ =	strace $0x8FFFFFFF  }
0x9f: {  	s18 =	sld [smem:$0x3FDB];
	_ =	sdelay $0x1  }
0xa0: {  	s19 =	simm.s32 $_scs_section_size  }
0xa1: {  	s7 =	simm.s32 $_size__tile_overlayer_lowered;
	s8 =	simm.s32 $_tile_overlayer_lowered  }
0xa2: {  	s22 =	simm.s32 $0x1BFF;
	s21 =	sshll.u32 s8, $0x1;
	s5 =	sadd.s32 s19, s18  }
0xa3: {  	s9 =	simm.s32 $0x0;
	s20 =	sshll.u32 s7, $0x1;
	s7 =	sadd.s32 s21, s5  }
0xa4: {  	[timem:s9], [sflag:s22] =	dma.local [hbm:s7], s20  }
0xa5: {  	_ =	swait.ge [sflag:s22], s20  }
0xa6: {  	s6 =	ssub.s32 $0x0, s20;
	[sflag:s22] =	ssyncset.done $0x0  }
0xa7: {  	[sflag:s22] =	ssyncadd.s32 s6;
	_ =	sdelay $0x1  }
0xa8: {  	s23 =	simm.s32 $0x1B8B  }
0xa9: {  	_ =	swait.ge [sflag:s23], $0x1  }
0xaa: {  	[sflag:s23] =	ssyncset.done $0x0  }
0xab: {  	s25 =	simm.s32 $0x1B8E;
	s24 =	sld [smem:$0x3FFE];
	[sflag:s23] =	ssyncadd.s32 $0xFFFFFFFF  }
0xac: {  	s26 =	simm.s32 $execute0_lowered;
	[smem:$0x3FD2] =	sst s25  }
0xad: {  	s7 =	sshll.u32 s26, $0x1;
	_ =	strace $0x80000046;
	[dreg:$0x1] =	wrdreg $0xFFFFFFFF  }
0xae: {  	s28 =	simm.s32 $_size_execute0_lowered;
	s5 =	sadd.s32 s5, s7;
	[dreg:$0x0] =	wrdreg $0x0  }
0xaf: {  	s7 =	sshll.u32 s28, $0x1;
	[dreg:$0x2] =	wrdreg s5  }
0xb0: {  	[dreg:$0x3] =	wrdreg s7  }
0xb1: {  	[dreg:$0x4] =	wrdreg $0xC0  }
0xb2: {  	_ =	task [dreg:s9], $0x5FFFF  }
0xb3: {  	[dreg:$0x1] =	wrdreg $0xFFFFFFFF  }
0xb4: {  	[dreg:$0x0] =	wrdreg $0x60  }
0xb5: {  	[dreg:$0x2] =	wrdreg s15  }
0xb6: {  	[dreg:$0x3] =	wrdreg s4  }
0xb7: {  	[dreg:$0x4] =	wrdreg s24  }
0xb8: {  	[dreg:$0x5] =	wrdreg s16  }
0xb9: {  	[dreg:$0x6] =	wrdreg $0x9  }
0xba: {  	_ =	task.clear_ibuf [dreg:s9], $0x7FFFF;
	_ =	strace $0x90000046  }
0xbb: {  	s29 =	simm.s32 $0x9;
	_ =	strace $0x80000048  }
0xbc: {  	_ =	swait.ge [sflag:s29], $0x1  }
0xbd: {  	[sflag:s29] =	ssyncadd.s32 $0xFFFFFFFF  }
0xbe: {  	_ =	strace $0x90000048  }
0xbf: {  	_ =	sfence  }
0xc0: {  	s30 =	sld [smem:$0x0];
	_ =	sdelay $0x2  }
0xc1: {  	s31 =	sshll.u32 s1, $0xD;
	s1 =	sshrl.u32 s1, $0x2  }
0xc2: {  	s3 =	sand.u32 $0x4000, s31;
	s1 =	sadd.s32 s1, s30  }
0xc3: {  	s0 =	sor.u32 s3, s0;
	s1 =	sshll.u32 s1, $0x11  }
0xc4: {  	s0 =	sor.u32 s1, s0  }
0xc5: {  	s0 =	sadd.s32 $0x8F2B, s0  }
0xc6: {  	[sflag:s0] =	ssyncadd.remote.s32 $0x1  }
0xc7: {  	_ =	sfence.sel $0xFFFF  }
0xc8: {  	[dreg:$0x0] =	wrdreg $0xFFFFFFFF;
	(pc) =	sbr.abs _section_cstart, $3  }
0xc9: {  	[dreg:$0x1] =	wrdreg $0xFFFFFFFF  }
0xca: {  	_ =	task.clear_ibuf [dreg:s9], $0x2FFFF;
	_ =	strace $0x9FFFFFFF  }
0xcb: {  	(tm) =	ssettm $0x7FFFFFFF  }
tec
execute0_lowered:
.L_overlay_start_1:
0x0: {  	(tag) =	ssettag $0x1  }
0x1: {  	s1 =	rddreg [dreg:$0x0]  }
0x2: {  	s0 =	rddreg [dreg:$0x2]  }
0x3: {  	s3 =	rddreg [dreg:$0x3];
	s4 =	simm.s32 $0x0;
	s2 =	srdreg.scid  }
0x4: {  	s6 =	stileid.u32;
	s18 =	simm.s32 $0x6280;
	s19 =	simm.s32 $0x2A80  }
0x5: {  	s20 =	simm.s32 $0x3280;
	s21 =	simm.s32 $0x3A80;
	s22 =	simm.s32 $0x4280  }
0x6: {  	s23 =	simm.s32 $0x6A80;
	s24 =	simm.s32 $0x7280;
	s25 =	simm.s32 $0x7A80  }
0x7: {  	s26 =	simm.s32 $0x8280;
	s28 =	simm.s32 $0x2;
	s12 =	simm.s32 $0x0  }
0x8: {  	[smem:$0x7FF] =	sst s4;
	s2 =	sand.u32 $0x1, s2;
	s0 =	sadd.s32 $0x600, s0  }
0x9: {  	s6 =	sshll.u32 s6, $0x5;
	s8 =	sadd.s32 $0x100, s1;
	s9 =	sadd.s32 $0x200, s1  }
.Ltmp0:
0xa: {  	s30 =	ssub.s32 $0x2, s2;
	s2 =	sshll.u32 s2, $0x4;
	(pc) =	sbr.rel .LBB2_1-.Ltmp0, $4  }
0xb: {  	v0 =	vlaneseq.u32;
	s10 =	sadd.s32 $0x300, s1;
	s5 =	sshrl.u32 s30, $0x1;
	s7 =	sor.u32 s2, s6  }
0xc: {  	vm0 =	vmmov $0xffff;
	_ =	strace $0x80000047;
	[dreg:$0x5] =	wrdreg s0;
	s0 =	ssub.s32 s30, s5;
	v1 =	vor.u32 s7, v0  }
0xd: {  	v4 =	vand.u32 $0x7, v0;
	v5 =	vshrl.u32 v0, $0x3;
	s2 =	simm.s32 $0x8000;
	s31 =	sxor.u32 $0x3F0, s7;
	s0 =	smax.u32 s0, $0x1;
	v2 =	vshll.u32 v1, $0x1  }
0xe: {  	v6 =	vor.u32 $0x8, v0;
	v5 =	vmul.u32 $0x8, v5;
	s5 =	simm.s32 $0x80;
	[dreg:$0x6] =	wrdreg s0;
	s0 =	simm.s32 $0x1;
	v3 =	vor.u32 $0x1, v2  }
.LBB2_17:
0xf: {  	s6 =	simm.s32 $0x3  }
0x10: {  	_ =	swait.ge [sflag:s6], $0x8000  }
0x11: {  	[sflag:s6] =	ssyncset.done $0x0  }
0x12: {  	s11 =	simm.s32 $0x4;
	[sflag:s6] =	ssyncadd.s32 $0xFFFF8000  }
0x13: {  	_ =	swait.ge [sflag:s11], $0x8000  }
0x14: {  	s12 =	rddreg [dreg:$0x7]  }
0x15: {  	s30 =	rddreg [dreg:$0x6];
	s12 =	sadd.s32 $0x1, s12  }
0x16: {  	p0 =	sne.s32 s12, s30  }
.Ltmp1:
0x17: {  	_ = 	snop;
	(pc) =	sbr.rel @!p0 .LBB2_18-.Ltmp1, $3  }
0x18: {  	_ =	sdelay $0x1  }
0x19: {  	[sflag:s11] =	ssyncset.done $0x0  }
0x1a: {  	[sflag:s11] =	ssyncadd.s32 $0xFFFF8000  }
.LBB2_1:
0x1b: {  	[dreg:$0x7] =	wrdreg s12  }
0x1c: {  	s6 =	rddreg [dreg:$0x1];
	s11 =	simm.s32 $0x5  }
0x1d: {  	[tilespmem:s4], [sflag:$0x5] =	stream.linear.gather [hbm4b:s6+s4], $0x80, $0x38;
	[tilespmem:$0x18A80] =	vst v63  }
0x1e: {  	_ =	swait.ge [sflag:s11], $0x80  }
0x1f: {  	[sflag:s11] =	ssyncset.done $0x0  }
0x20: {  	s17 =	simm.s32 $0x10A80;
	s16 =	rddreg [dreg:$0x5];
	[sflag:s11] =	ssyncadd.s32 $0xFFFFFF80  }
0x21: {  	[tilespmem:s17], [sflag:$0x5] =	stream.linear.gather [hbm4b:s16+s4], $0x8000, $0x38;
	[tilespmem:$0x18A80] =	vst v63  }
0x22: {  	_ =	swait.ge [sflag:s11], $0x8000  }
0x23: {  	[sflag:s11] =	ssyncset.done $0x0  }
0x24: {  	[sflag:s11] =	ssyncadd.s32 $0xFFFF8000  }
0x25: {  	v7 =	vld [tilespmem:$0x0];
	_ =	sdelay $0x4  }
0x26: {  	v8 =	vbroadcast v7, $0x0;
	_ =	sdelay $0x1  }
0x27: {  	v9 =	vshra.s32 v8, $0x1  }
0x28: {  	(v2sf) =	vpush v9, $0x0;
	_ =	sdelay $0x7  }
0x29: {  	v10 =	vbroadcast v7, $0x1  }
0x2a: {  	v11 =	vbroadcast v7, $0x2  }
0x2b: {  	v53 =	vbroadcast v7, $0x3;
	[tilespmem:$0x100] =	vst v10  }
0x2c: {  	v54 =	vbroadcast v7, $0x4;
	[tilespmem:$0x180] =	vst v11  }
0x2d: {  	v55 =	vbroadcast v7, $0x5;
	[tilespmem:$0x200] =	vst v53  }
0x2e: {  	v56 =	vbroadcast v7, $0x6;
	[tilespmem:$0x280] =	vst v54  }
0x2f: {  	v57 =	vbroadcast v7, $0x7;
	[tilespmem:$0x300] =	vst v55  }
0x30: {  	v58 =	vbroadcast v7, $0x8;
	[tilespmem:$0x380] =	vst v56;
	s30 =	spop (v2sf)  }
0x31: {  	v59 =	vbroadcast v7, $0x9;
	[tilespmem:$0x400] =	vst v57;
	p0 =	sge.s32 s7, s30  }
0x32: {  	v60 =	vbroadcast v7, $0xA;
	v12 =	vbroadcast v7, $0xB;
	[tilespmem:$0x480] =	vst v58;
	vm1 =	vgt.s32 @!p0 v2, v8  }
0x33: {  	v61 =	vbroadcast v7, $0xC;
	[tilespmem:$0x500] =	vst v59;
	vm2 =	vgt.s32 @!p0 v9, v1;
	v9 =	vsel @!p0 vm1, v2, v8  }
0x34: {  	v62 =	vbroadcast v7, $0xD;
	[tilespmem:$0x580] =	vst v60;
	v13 =	vlaneseq.u32 @!p0;
	v9 =	vsel @!p0 vm2, v2, v9  }
0x35: {  	[tilespmem:$0x600] =	vst v12;
	v14 =	vand.u32 @!p0 $0x7, v13;
	v15 =	vshrl.u32 @!p0 v13, $0x3;
	v12 =	vshll.u32 @!p0 v9, $0x7  }
0x36: {  	v63 =	vbroadcast v7, $0xE;
	[tilespmem:$0x680] =	vst v61;
	v15 =	vmul.u32 @!p0 $0x8, v15;
	v16 =	vperm.xlane @!p0 v12, v14  }
0x37: {  	[tilespmem:$0x700] =	vst v62  }
0x38: {  	v7 =	vbroadcast v7, $0xF;
	[tilespmem:$0x780] =	vst v63;
	vm1 =	vgt.s32 @!p0 v3, v8;
	v10 =	vadd.s32 @!p0 v15, v16  }
0x39: {  	[tilespmem:$0x80] =	vst v8;
	v8 =	vsel @!p0 vm1, v3, v8  }
0x3a: {  	[tilespmem:$0x800] =	vst v7;
	v7 =	vsel @!p0 vm2, v3, v8;
	v8 =	vshll.u32 @!p0 v9, $0x4  }
0x3b: {  	[tilespmem:$0x880] =	vst @!p0 v8;
	v7 =	vshll.u32 @!p0 v7, $0x4  }
0x3c: {  	s6 =	simm.s32 @!p0 $0x0;
	s11 =	simm.s32 @!p0 $0xA80;
	vm1 =	vmmov @!p0 $0xffff;
	[tilespmem:$0x900] =	vst @!p0 v7  }
0x3d: {  	v7 =	vor.u32 @!p0 $0x8, v13;
	[tilespmem:s11], [sflag:$0x1] =	stream.indirect_vreg.gather @!p0 [hbm4b:s1+s6], $0x80, v10, vm1, $0xb8;
	[tilespmem:$0x18A80] =	vst v63  }
0x3e: {  	v8 =	vperm.xlane @!p0 v12, v7;
	s11 =	simm.s32 @!p0 $0x1280  }
0x3f: {  	[tilespmem:s11], [sflag:$0x1] =	stream.indirect_vreg.gather @!p0 [hbm4b:s8+s6], $0x80, v10, vm1, $0xb8;
	[tilespmem:$0x18A80] =	vst v63  }
0x40: {  	v8 =	vadd.s32 @!p0 v15, v8;
	s11 =	simm.s32 @!p0 $0x1A80  }
0x41: {  	[tilespmem:s11], [sflag:$0x1] =	stream.indirect_vreg.gather @!p0 [hbm4b:s9+s6], $0x80, v10, vm1, $0xb8;
	[tilespmem:$0x18A80] =	vst v63  }
0x42: {  	s11 =	simm.s32 @!p0 $0x2280  }
0x43: {  	[tilespmem:s11], [sflag:$0x1] =	stream.indirect_vreg.gather @!p0 [hbm4b:s10+s6], $0x80, v10, vm1, $0xb8;
	[tilespmem:$0x18A80] =	vst v63  }
0x44: {  	s11 =	simm.s32 @!p0 $0x4A80  }
0x45: {  	[tilespmem:s11], [sflag:$0x1] =	stream.indirect_vreg.gather @!p0 [hbm4b:s1+s6], $0x80, v8, vm1, $0xb8;
	[tilespmem:$0x18A80] =	vst v63  }
0x46: {  	s11 =	simm.s32 @!p0 $0x5280  }
0x47: {  	[tilespmem:s11], [sflag:$0x1] =	stream.indirect_vreg.gather @!p0 [hbm4b:s8+s6], $0x80, v8, vm1, $0xb8;
	[tilespmem:$0x18A80] =	vst v63  }
0x48: {  	s11 =	simm.s32 @!p0 $0x5A80  }
0x49: {  	[tilespmem:s11], [sflag:$0x1] =	stream.indirect_vreg.gather @!p0 [hbm4b:s9+s6], $0x80, v8, vm1, $0xb8;
	[tilespmem:$0x18A80] =	vst v63  }
0x4a: {  	s11 =	simm.s32 @!p0 $0x6280  }
0x4b: {  	[tilespmem:s11], [sflag:$0x1] =	stream.indirect_vreg.gather @!p0 [hbm4b:s10+s6], $0x80, v8, vm1, $0xb8;
	[tilespmem:$0x18A80] =	vst v63  }
0x4c: {  	v8 =	vld @!p0 [tilespmem:$0x900];
	_ =	sdelay $0x4  }
0x4d: {  	v9 =	vshll.u32 @!p0 v8, $0x3  }
0x4e: {  	v8 =	vand.u32 @!p0 $0x7, v8;
	v9 =	vand.u32 @!p0 $0xFFFFFFC0, v9  }
0x4f: {  	v8 =	vor.u32 @!p0 v8, v9  }
0x50: {  	v9 =	vperm.xlane @!p0 v8, v14;
	_ =	sdelay $0x1  }
0x51: {  	v9 =	vadd.s32 @!p0 v15, v9;
	_ =	sdelay $0x3  }
0x52: {  	s11 =	simm.s32 @!p0 $0x2A80  }
0x53: {  	[tilespmem:s11], [sflag:$0x1] =	stream.indirect_vreg.gather @!p0 [hbm4b:s1+s6], $0x80, v9, vm1, $0xb8;
	[tilespmem:$0x18A80] =	vst v63  }
0x54: {  	v7 =	vperm.xlane @!p0 v8, v7;
	s11 =	simm.s32 @!p0 $0x3280  }
0x55: {  	[tilespmem:s11], [sflag:$0x1] =	stream.indirect_vreg.gather @!p0 [hbm4b:s8+s6], $0x80, v9, vm1, $0xb8;
	[tilespmem:$0x18A80] =	vst v63  }
0x56: {  	v7 =	vadd.s32 @!p0 v15, v7;
	s11 =	simm.s32 @!p0 $0x3A80  }
0x57: {  	[tilespmem:s11], [sflag:$0x1] =	stream.indirect_vreg.gather @!p0 [hbm4b:s9+s6], $0x80, v9, vm1, $0xb8;
	[tilespmem:$0x18A80] =	vst v63  }
0x58: {  	s11 =	simm.s32 @!p0 $0x4280  }
0x59: {  	[tilespmem:s11], [sflag:$0x1] =	stream.indirect_vreg.gather @!p0 [hbm4b:s10+s6], $0x80, v9, vm1, $0xb8;
	[tilespmem:$0x18A80] =	vst v63  }
0x5a: {  	s11 =	simm.s32 @!p0 $0x6A80  }
0x5b: {  	[tilespmem:s11], [sflag:$0x1] =	stream.indirect_vreg.gather @!p0 [hbm4b:s1+s6], $0x80, v7, vm1, $0xb8;
	[tilespmem:$0x18A80] =	vst v63  }
0x5c: {  	s11 =	simm.s32 @!p0 $0x7280  }
0x5d: {  	[tilespmem:s11], [sflag:$0x1] =	stream.indirect_vreg.gather @!p0 [hbm4b:s8+s6], $0x80, v7, vm1, $0xb8;
	[tilespmem:$0x18A80] =	vst v63  }
.Ltmp2:
0x5e: {  	_ = 	snop;
	(pc) =	sbr.rel .LBB2_2-.Ltmp2, $4  }
0x5f: {  	s11 =	simm.s32 @!p0 $0x7A80  }
0x60: {  	[tilespmem:s11], [sflag:$0x1] =	stream.indirect_vreg.gather @!p0 [hbm4b:s9+s6], $0x80, v7, vm1, $0xb8;
	[tilespmem:$0x18A80] =	vst v63  }
0x61: {  	s29 =	simm.s32 $0x0;
	s11 =	simm.s32 @!p0 $0x8280  }
0x62: {  	[tilespmem:s11], [sflag:$0x1] =	stream.indirect_vreg.gather @!p0 [hbm4b:s10+s6], $0x80, v7, vm1, $0xb8;
	[tilespmem:$0x18A80] =	vst v63  }
.LBB2_16:
0x63: {  	s29 =	sadd.s32 $0x1, s29  }
0x64: {  	p0 =	sne.s32 s29, $0x10  }
.Ltmp3:
0x65: {  	_ = 	snop;
	(pc) =	sbr.rel @!p0 .LBB2_17-.Ltmp3, $1  }
0x66: {  	_ =	sdelay $0x3  }
.LBB2_2:
0x67: {  	s6 =	sshll.u32 s29, $0x1;
	p0 =	seq.s32 s29, $0x0  }
0x68: {  	s11 =	simm.s32 @!p0 $0x4;
	s12 =	sand.u32 $0xE, s6  }
0x69: {  	_ =	swait.ge @!p0 [sflag:s11], $0x8000;
	s30 =	sor.u32 $0x1, s12  }
0x6a: {  	[sflag:s11] =	ssyncset.done @!p0 $0x0;
	s12 =	sshll.u32 s30, $0x9  }
0x6b: {  	[sflag:s11] =	ssyncadd.s32 @!p0 $0xFFFF8000;
	s14 =	sshrl.u32 s12, $0x2  }
0x6c: {  	v7 =	vld [tilespmem:s14+$0x80];
	_ =	sdelay $0x4  }
0x6d: {  	v8 =	vshra.s32 v7, $0x1  }
0x6e: {  	(v2sf) =	vpush v8, $0x0;
	_ =	sdelay $0xd  }
0x6f: {  	p0 =	slt.u32 s29, $0x8;
	s11 =	smov.u32 s31  }
0x70: {  	s11 =	smov.u32 @p0 s7;
	s17 =	spop (v2sf)  }
0x71: {  	p0 =	sge.s32 s11, s17  }
.Ltmp4:
0x72: {  	_ = 	snop;
	(pc) =	sbr.rel @p0 .LBB2_4-.Ltmp4, $1  }
0x73: {  	_ =	sdelay $0x3  }
0x74: {  	v9 =	vor.u32 s11, v0  }
0x75: {  	v10 =	vshll.u32 v9, $0x1  }
0x76: {  	vm1 =	vgt.s32 v10, v7  }
0x77: {  	vm2 =	vgt.s32 v8, v9;
	v8 =	vsel vm1, v10, v7  }
0x78: {  	v8 =	vsel vm2, v10, v8  }
0x79: {  	v8 =	vshll.u32 v8, $0x4  }
0x7a: {  	v8 =	vor.u32 s30, v8  }
0x7b: {  	v63 =	vmov s30;
	v11 =	vshll.u32 v8, $0x3  }
0x7c: {  	v9 =	vand.u32 $0x7, v63;
	v11 =	vand.u32 $0xFFFFFFC0, v11  }
0x7d: {  	v9 =	vor.u32 v9, v11  }
0x7e: {  	v10 =	vor.u32 $0x1, v10;
	v11 =	vperm.xlane v9, v4  }
0x7f: {  	vm1 =	vgt.s32 v10, v7  }
0x80: {  	v7 =	vsel vm1, v10, v7;
	v11 =	vadd.s32 v5, v11  }
0x81: {  	v7 =	vsel vm2, v10, v7  }
0x82: {  	v7 =	vshll.u32 v7, $0x4  }
0x83: {  	[tilespmem:$0x980] =	vst v8;
	v7 =	vor.u32 s30, v7  }
0x84: {  	s12 =	simm.s32 $0x8A80;
	[tilespmem:$0xA00] =	vst v7  }
0x85: {  	[tilespmem:s12], [sflag:$0x2] =	stream.indirect_vreg.gather [hbm4b:s1+s4], $0x80, v11, vm0, $0xb8;
	[tilespmem:$0x18A80] =	vst v63  }
0x86: {  	s15 =	simm.s32 $0x9280;
	v7 =	vperm.xlane v9, v6  }
0x87: {  	[tilespmem:s15], [sflag:$0x2] =	stream.indirect_vreg.gather [hbm4b:s8+s4], $0x80, v11, vm0, $0xb8;
	[tilespmem:$0x18A80] =	vst v63  }
0x88: {  	s16 =	simm.s32 $0x9A80;
	v7 =	vadd.s32 v5, v7  }
0x89: {  	[tilespmem:s16], [sflag:$0x2] =	stream.indirect_vreg.gather [hbm4b:s9+s4], $0x80, v11, vm0, $0xb8;
	[tilespmem:$0x18A80] =	vst v63  }
0x8a: {  	s17 =	simm.s32 $0xA280  }
0x8b: {  	[tilespmem:s17], [sflag:$0x2] =	stream.indirect_vreg.gather [hbm4b:s10+s4], $0x80, v11, vm0, $0xb8;
	[tilespmem:$0x18A80] =	vst v63  }
0x8c: {  	s13 =	simm.s32 $0xCA80  }
0x8d: {  	[tilespmem:s13], [sflag:$0x2] =	stream.indirect_vreg.gather [hbm4b:s1+s4], $0x80, v7, vm0, $0xb8;
	[tilespmem:$0x18A80] =	vst v63  }
0x8e: {  	s15 =	simm.s32 $0xD280  }
0x8f: {  	[tilespmem:s15], [sflag:$0x2] =	stream.indirect_vreg.gather [hbm4b:s8+s4], $0x80, v7, vm0, $0xb8;
	[tilespmem:$0x18A80] =	vst v63  }
0x90: {  	s16 =	simm.s32 $0xDA80  }
0x91: {  	[tilespmem:s16], [sflag:$0x2] =	stream.indirect_vreg.gather [hbm4b:s9+s4], $0x80, v7, vm0, $0xb8;
	[tilespmem:$0x18A80] =	vst v63  }
0x92: {  	s17 =	simm.s32 $0xE280  }
0x93: {  	[tilespmem:s17], [sflag:$0x2] =	stream.indirect_vreg.gather [hbm4b:s10+s4], $0x80, v7, vm0, $0xb8;
	[tilespmem:$0x18A80] =	vst v63  }
0x94: {  	v7 =	vld [tilespmem:$0xA00];
	_ =	sdelay $0x4  }
0x95: {  	v8 =	vshll.u32 v7, $0x3  }
0x96: {  	v7 =	vand.u32 $0x7, v7;
	v8 =	vand.u32 $0xFFFFFFC0, v8  }
0x97: {  	v7 =	vor.u32 v7, v8  }
0x98: {  	v8 =	vperm.xlane v7, v4;
	_ =	sdelay $0x1  }
0x99: {  	v8 =	vadd.s32 v5, v8;
	_ =	sdelay $0x3  }
0x9a: {  	s13 =	simm.s32 $0xAA80  }
0x9b: {  	[tilespmem:s13], [sflag:$0x2] =	stream.indirect_vreg.gather [hbm4b:s1+s4], $0x80, v8, vm0, $0xb8;
	[tilespmem:$0x18A80] =	vst v63  }
0x9c: {  	s15 =	simm.s32 $0xB280;
	v7 =	vperm.xlane v7, v6  }
0x9d: {  	[tilespmem:s15], [sflag:$0x2] =	stream.indirect_vreg.gather [hbm4b:s8+s4], $0x80, v8, vm0, $0xb8;
	[tilespmem:$0x18A80] =	vst v63  }
0x9e: {  	s16 =	simm.s32 $0xBA80;
	v7 =	vadd.s32 v5, v7  }
0x9f: {  	[tilespmem:s16], [sflag:$0x2] =	stream.indirect_vreg.gather [hbm4b:s9+s4], $0x80, v8, vm0, $0xb8;
	[tilespmem:$0x18A80] =	vst v63  }
0xa0: {  	s17 =	simm.s32 $0xC280  }
0xa1: {  	[tilespmem:s17], [sflag:$0x2] =	stream.indirect_vreg.gather [hbm4b:s10+s4], $0x80, v8, vm0, $0xb8;
	[tilespmem:$0x18A80] =	vst v63  }
0xa2: {  	s13 =	simm.s32 $0xEA80  }
0xa3: {  	[tilespmem:s13], [sflag:$0x2] =	stream.indirect_vreg.gather [hbm4b:s1+s4], $0x80, v7, vm0, $0xb8;
	[tilespmem:$0x18A80] =	vst v63  }
0xa4: {  	s15 =	simm.s32 $0xF280  }
0xa5: {  	[tilespmem:s15], [sflag:$0x2] =	stream.indirect_vreg.gather [hbm4b:s8+s4], $0x80, v7, vm0, $0xb8;
	[tilespmem:$0x18A80] =	vst v63  }
0xa6: {  	s16 =	simm.s32 $0xFA80  }
0xa7: {  	[tilespmem:s16], [sflag:$0x2] =	stream.indirect_vreg.gather [hbm4b:s9+s4], $0x80, v7, vm0, $0xb8;
	[tilespmem:$0x18A80] =	vst v63  }
0xa8: {  	s17 =	simm.s32 $0x10280  }
0xa9: {  	[tilespmem:s17], [sflag:$0x2] =	stream.indirect_vreg.gather [hbm4b:s10+s4], $0x80, v7, vm0, $0xb8;
	[tilespmem:$0x18A80] =	vst v63  }
.LBB2_4:
0xaa: {  	s12 =	sshll.u32 s29, $0x8  }
0xab: {  	s12 =	sand.u32 $0x700, s12  }
0xac: {  	v7 =	vld [tilespmem:s12+$0x80];
	_ =	sdelay $0x4  }
0xad: {  	(v2sf) =	vpush v7, $0x0;
	_ =	sdelay $0xe  }
0xae: {  	s17 =	spop (v2sf)  }
0xaf: {  	s12 =	sshra.s32 s17, $0x1  }
0xb0: {  	p0 =	sge.s32 s11, s12  }
.Ltmp5:
0xb1: {  	_ = 	snop;
	(pc) =	sbr.rel @p0 .LBB2_7-.Ltmp5, $1  }
0xb2: {  	_ =	sdelay $0x3  }
0xb3: {  	_ =	swait.ge [sflag:s0], $0x4000  }
0xb4: {  	s12 =	sshll.u32 s29, $0x9;
	s13 =	sshll.u32 s29, $0x5;
	[sflag:s0] =	ssyncset.done $0x0  }
0xb5: {  	s15 =	sshll.u32 s11, $0xC;
	s12 =	sand.u32 $0x800, s12;
	[sflag:s0] =	ssyncadd.s32 $0xFFFFC000  }
0xb6: {  	s13 =	sand.u32 $0x60, s13;
	s12 =	sadd.s32 s3, s12;
	_ =	swait.ge [sflag:s0], $0x4000  }
0xb7: {  	p0 =	por $0x1, $0x1;
	s12 =	sadd.s32 s13, s12;
	[sflag:s0] =	ssyncset.done $0x0  }
0xb8: {  	s13 =	simm.s32 $0x0;
	s12 =	sadd.s32 s15, s12;
	[sflag:s0] =	ssyncadd.s32 $0xFFFFC000  }
.LBB2_6:
0xb9: {  	s15 =	sshll.u32 s13, $0xE  }
0xba: {  	s17 =	sshll.u32 s13, $0xF;
	s15 =	sand.u32 $0x3FFFC000, s15  }
0xbb: {  	s13 =	sadd.s32 s17, s12;
	s16 =	sor.u32 $0xA80, s15  }
0xbc: {  	[hbm4b:s13+s5] =	stream.strided.scatter [tilespmem:s16], [sflag:$0x3], $0x400, s2, s5, $0x38;
	[tilespmem:$0x18A80] =	vst v63  }
0xbd: {  	s17 =	sadd.s32 $0x80, s13;
	s16 =	sor.u32 $0xE80, s15  }
0xbe: {  	[hbm4b:s17+s5] =	stream.strided.scatter [tilespmem:s16], [sflag:$0x3], $0x400, s2, s5, $0x38;
	[tilespmem:$0x18A80] =	vst v63  }
0xbf: {  	s16 =	sor.u32 $0x1280, s15;
	s17 =	sadd.s32 $0x100, s13  }
0xc0: {  	[hbm4b:s17+s5] =	stream.strided.scatter [tilespmem:s16], [sflag:$0x3], $0x400, s2, s5, $0x38;
	[tilespmem:$0x18A80] =	vst v63  }
0xc1: {  	s16 =	sor.u32 $0x1680, s15;
	s17 =	sadd.s32 $0x180, s13  }
0xc2: {  	[hbm4b:s17+s5] =	stream.strided.scatter [tilespmem:s16], [sflag:$0x3], $0x400, s2, s5, $0x38;
	[tilespmem:$0x18A80] =	vst v63  }
0xc3: {  	s16 =	sor.u32 $0x1A80, s15;
	s17 =	sadd.s32 $0x200, s13  }
0xc4: {  	[hbm4b:s17+s5] =	stream.strided.scatter [tilespmem:s16], [sflag:$0x3], $0x400, s2, s5, $0x38;
	[tilespmem:$0x18A80] =	vst v63  }
0xc5: {  	s16 =	sor.u32 $0x1E80, s15;
	s17 =	sadd.s32 $0x280, s13  }
0xc6: {  	[hbm4b:s17+s5] =	stream.strided.scatter [tilespmem:s16], [sflag:$0x3], $0x400, s2, s5, $0x38;
	[tilespmem:$0x18A80] =	vst v63  }
0xc7: {  	s16 =	sor.u32 $0x2280, s15;
	s17 =	sadd.s32 $0x300, s13  }
0xc8: {  	[hbm4b:s17+s5] =	stream.strided.scatter [tilespmem:s16], [sflag:$0x3], $0x400, s2, s5, $0x38;
	[tilespmem:$0x18A80] =	vst v63  }
0xc9: {  	s16 =	sor.u32 $0x2680, s15;
	s17 =	sadd.s32 $0x380, s13  }
0xca: {  	[hbm4b:s17+s5] =	stream.strided.scatter [tilespmem:s16], [sflag:$0x3], $0x400, s2, s5, $0x38;
	[tilespmem:$0x18A80] =	vst v63  }
0xcb: {  	s16 =	sor.u32 $0x2A80, s15;
	s17 =	sadd.s32 $0x400, s13  }
0xcc: {  	[hbm4b:s17+s5] =	stream.strided.scatter [tilespmem:s16], [sflag:$0x3], $0x400, s2, s5, $0x38;
	[tilespmem:$0x18A80] =	vst v63  }
0xcd: {  	s16 =	sor.u32 $0x2E80, s15;
	s17 =	sadd.s32 $0x480, s13  }
0xce: {  	[hbm4b:s17+s5] =	stream.strided.scatter [tilespmem:s16], [sflag:$0x3], $0x400, s2, s5, $0x38;
	[tilespmem:$0x18A80] =	vst v63  }
0xcf: {  	s16 =	sor.u32 $0x3280, s15;
	s17 =	sadd.s32 $0x500, s13  }
0xd0: {  	[hbm4b:s17+s5] =	stream.strided.scatter [tilespmem:s16], [sflag:$0x3], $0x400, s2, s5, $0x38;
	[tilespmem:$0x18A80] =	vst v63  }
0xd1: {  	s16 =	sor.u32 $0x3680, s15;
	s17 =	sadd.s32 $0x580, s13  }
0xd2: {  	[hbm4b:s17+s5] =	stream.strided.scatter [tilespmem:s16], [sflag:$0x3], $0x400, s2, s5, $0x38;
	[tilespmem:$0x18A80] =	vst v63  }
0xd3: {  	s16 =	sor.u32 $0x3A80, s15;
	s17 =	sadd.s32 $0x600, s13  }
0xd4: {  	[hbm4b:s17+s5] =	stream.strided.scatter [tilespmem:s16], [sflag:$0x3], $0x400, s2, s5, $0x38;
	[tilespmem:$0x18A80] =	vst v63  }
0xd5: {  	p1 =	por p0, p0;
	s16 =	sor.u32 $0x3E80, s15;
	s17 =	sadd.s32 $0x680, s13  }
0xd6: {  	[hbm4b:s17+s5] =	stream.strided.scatter [tilespmem:s16], [sflag:$0x3], $0x400, s2, s5, $0x38;
	[tilespmem:$0x18A80] =	vst v63  }
.Ltmp6:
0xd7: {  	s16 =	sadd.s32 $0x4280, s15;
	s17 =	sadd.s32 $0x700, s13;
	(pc) =	sbr.rel @p1 .LBB2_6-.Ltmp6, $4  }
0xd8: {  	[hbm4b:s17+s5] =	stream.strided.scatter [tilespmem:s16], [sflag:$0x3], $0x400, s2, s5, $0x38;
	[tilespmem:$0x18A80] =	vst v63  }
0xd9: {  	s15 =	sadd.s32 $0x4680, s15;
	s13 =	sadd.s32 $0x780, s13  }
0xda: {  	[hbm4b:s13+s5] =	stream.strided.scatter [tilespmem:s15], [sflag:$0x3], $0x400, s2, s5, $0x38;
	[tilespmem:$0x18A80] =	vst v63  }
0xdb: {  	p0 =	por $0x0, $0x0;
	s13 =	simm.s32 $0x1  }
.Ltmp7:
0xdc: {  	_ = 	snop;
	(pc) =	sbr.rel .LBB2_9-.Ltmp7, $1  }
0xdd: {  	_ =	sdelay $0x3  }
.LBB2_7:
0xde: {  	s12 =	sshll.u32 s29, $0x9  }
0xdf: {  	s13 =	sshll.u32 s29, $0x5;
	s12 =	sand.u32 $0x800, s12  }
0xe0: {  	s13 =	sand.u32 $0x60, s13;
	s12 =	sadd.s32 s3, s12  }
0xe1: {  	s15 =	sshll.u32 s11, $0xC;
	s12 =	sadd.s32 s13, s12  }
0xe2: {  	p0 =	por $0x1, $0x1;
	s13 =	simm.s32 $0x0;
	s12 =	sadd.s32 s15, s12  }
.LBB2_8:
0xe3: {  	s15 =	sshll.u32 s13, $0xE  }
0xe4: {  	s17 =	sshll.u32 s13, $0xF;
	s15 =	sand.u32 $0x3FFFC000, s15  }
0xe5: {  	s13 =	sadd.s32 s17, s12;
	s16 =	sadd.s32 $0x10A80, s15  }
0xe6: {  	[hbm4b:s13+s5] =	stream.strided.scatter [tilespmem:s16], [sflag:$0x3], $0x400, s2, s5, $0x38;
	[tilespmem:$0x18A80] =	vst v63  }
0xe7: {  	s17 =	sadd.s32 $0x80, s13;
	s16 =	sadd.s32 $0x10E80, s15  }
0xe8: {  	[hbm4b:s17+s5] =	stream.strided.scatter [tilespmem:s16], [sflag:$0x3], $0x400, s2, s5, $0x38;
	[tilespmem:$0x18A80] =	vst v63  }
0xe9: {  	s16 =	sadd.s32 $0x11280, s15;
	s17 =	sadd.s32 $0x100, s13  }
0xea: {  	[hbm4b:s17+s5] =	stream.strided.scatter [tilespmem:s16], [sflag:$0x3], $0x400, s2, s5, $0x38;
	[tilespmem:$0x18A80] =	vst v63  }
0xeb: {  	s16 =	sadd.s32 $0x11680, s15;
	s17 =	sadd.s32 $0x180, s13  }
0xec: {  	[hbm4b:s17+s5] =	stream.strided.scatter [tilespmem:s16], [sflag:$0x3], $0x400, s2, s5, $0x38;
	[tilespmem:$0x18A80] =	vst v63  }
0xed: {  	s16 =	sadd.s32 $0x11A80, s15;
	s17 =	sadd.s32 $0x200, s13  }
0xee: {  	[hbm4b:s17+s5] =	stream.strided.scatter [tilespmem:s16], [sflag:$0x3], $0x400, s2, s5, $0x38;
	[tilespmem:$0x18A80] =	vst v63  }
0xef: {  	s16 =	sadd.s32 $0x11E80, s15;
	s17 =	sadd.s32 $0x280, s13  }
0xf0: {  	[hbm4b:s17+s5] =	stream.strided.scatter [tilespmem:s16], [sflag:$0x3], $0x400, s2, s5, $0x38;
	[tilespmem:$0x18A80] =	vst v63  }
0xf1: {  	s16 =	sadd.s32 $0x12280, s15;
	s17 =	sadd.s32 $0x300, s13  }
0xf2: {  	[hbm4b:s17+s5] =	stream.strided.scatter [tilespmem:s16], [sflag:$0x3], $0x400, s2, s5, $0x38;
	[tilespmem:$0x18A80] =	vst v63  }
0xf3: {  	s16 =	sadd.s32 $0x12680, s15;
	s17 =	sadd.s32 $0x380, s13  }
0xf4: {  	[hbm4b:s17+s5] =	stream.strided.scatter [tilespmem:s16], [sflag:$0x3], $0x400, s2, s5, $0x38;
	[tilespmem:$0x18A80] =	vst v63  }
0xf5: {  	s16 =	sadd.s32 $0x12A80, s15;
	s17 =	sadd.s32 $0x400, s13  }
0xf6: {  	[hbm4b:s17+s5] =	stream.strided.scatter [tilespmem:s16], [sflag:$0x3], $0x400, s2, s5, $0x38;
	[tilespmem:$0x18A80] =	vst v63  }
0xf7: {  	s16 =	sadd.s32 $0x12E80, s15;
	s17 =	sadd.s32 $0x480, s13  }
0xf8: {  	[hbm4b:s17+s5] =	stream.strided.scatter [tilespmem:s16], [sflag:$0x3], $0x400, s2, s5, $0x38;
	[tilespmem:$0x18A80] =	vst v63  }
0xf9: {  	s16 =	sadd.s32 $0x13280, s15;
	s17 =	sadd.s32 $0x500, s13  }
0xfa: {  	[hbm4b:s17+s5] =	stream.strided.scatter [tilespmem:s16], [sflag:$0x3], $0x400, s2, s5, $0x38;
	[tilespmem:$0x18A80] =	vst v63  }
0xfb: {  	s16 =	sadd.s32 $0x13680, s15;
	s17 =	sadd.s32 $0x580, s13  }
0xfc: {  	[hbm4b:s17+s5] =	stream.strided.scatter [tilespmem:s16], [sflag:$0x3], $0x400, s2, s5, $0x38;
	[tilespmem:$0x18A80] =	vst v63  }
0xfd: {  	s16 =	sadd.s32 $0x13A80, s15;
	s17 =	sadd.s32 $0x600, s13  }
0xfe: {  	[hbm4b:s17+s5] =	stream.strided.scatter [tilespmem:s16], [sflag:$0x3], $0x400, s2, s5, $0x38;
	[tilespmem:$0x18A80] =	vst v63  }
0xff: {  	p1 =	por p0, p0;
	s16 =	sadd.s32 $0x13E80, s15;
	s17 =	sadd.s32 $0x680, s13  }
0x100: {  	[hbm4b:s17+s5] =	stream.strided.scatter [tilespmem:s16], [sflag:$0x3], $0x400, s2, s5, $0x38;
	[tilespmem:$0x18A80] =	vst v63  }
.Ltmp8:
0x101: {  	s16 =	sadd.s32 $0x14280, s15;
	s17 =	sadd.s32 $0x700, s13;
	(pc) =	sbr.rel @p1 .LBB2_8-.Ltmp8, $4  }
0x102: {  	[hbm4b:s17+s5] =	stream.strided.scatter [tilespmem:s16], [sflag:$0x3], $0x400, s2, s5, $0x38;
	[tilespmem:$0x18A80] =	vst v63  }
0x103: {  	s15 =	sadd.s32 $0x14680, s15;
	s13 =	sadd.s32 $0x780, s13  }
0x104: {  	[hbm4b:s13+s5] =	stream.strided.scatter [tilespmem:s15], [sflag:$0x3], $0x400, s2, s5, $0x38;
	[tilespmem:$0x18A80] =	vst v63  }
0x105: {  	p0 =	por $0x0, $0x0;
	s13 =	simm.s32 $0x1  }
.LBB2_9:
0x106: {  	p0 =	seq.s32 s29, $0xF  }
0x107: {  	s12 =	simm.s32 @!p0 $0x3  }
0x108: {  	s6 =	sadd.s32 @!p0 $0x2, s6;
	_ =	swait.ge @!p0 [sflag:s12], $0x8000  }
0x109: {  	s6 =	sand.u32 @!p0 $0xE, s6;
	[sflag:s12] =	ssyncset.done @!p0 $0x0  }
0x10a: {  	[sflag:s12] =	ssyncadd.s32 @!p0 $0xFFFF8000;
	s12 =	sshll.u32 @!p0 s6, $0x7  }
0x10b: {  	v7 =	vld @!p0 [tilespmem:s12+$0x80];
	_ =	sdelay $0x4  }
0x10c: {  	v8 =	vshra.s32 @!p0 v7, $0x1  }
0x10d: {  	(v2sf) =	vpush @!p0 v8, $0x0;
	_ =	sdelay $0xc  }
0x10e: {  	p1 =	slt.u32 @!p0 s29, $0x7  }
0x10f: {  	p1 =	por !p1, p0;
	s12 =	smov.u32 s7  }
0x110: {  	s12 =	smov.u32 @p1 s31;
	s13 =	spop @!p0 (v2sf)  }
0x111: {  	p1 =	sge.s32 @!p0 s12, s13  }
0x112: {  	p0 =	por p0, p1  }
.Ltmp9:
0x113: {  	_ = 	snop;
	(pc) =	sbr.rel @p0 .LBB2_11-.Ltmp9, $1  }
0x114: {  	_ =	sdelay $0x3  }
0x115: {  	v9 =	vor.u32 s12, v0  }
0x116: {  	v10 =	vshll.u32 v9, $0x1  }
0x117: {  	vm1 =	vgt.s32 v10, v7  }
0x118: {  	vm2 =	vgt.s32 v8, v9;
	v8 =	vsel vm1, v10, v7  }
0x119: {  	v8 =	vsel vm2, v10, v8  }
0x11a: {  	v8 =	vshll.u32 v8, $0x4  }
0x11b: {  	v8 =	vor.u32 s6, v8  }
0x11c: {  	v63 =	vmov s6;
	v11 =	vshll.u32 v8, $0x3  }
0x11d: {  	v9 =	vand.u32 $0x6, v63;
	v11 =	vand.u32 $0xFFFFFFC0, v11  }
0x11e: {  	v9 =	vor.u32 v9, v11  }
0x11f: {  	v10 =	vor.u32 $0x1, v10;
	v11 =	vperm.xlane v9, v4  }
0x120: {  	vm1 =	vgt.s32 v10, v7  }
0x121: {  	v7 =	vsel vm1, v10, v7;
	v11 =	vadd.s32 v5, v11  }
0x122: {  	v7 =	vsel vm2, v10, v7  }
0x123: {  	v7 =	vshll.u32 v7, $0x4  }
0x124: {  	[tilespmem:$0x880] =	vst v8;
	v7 =	vor.u32 s6, v7  }
0x125: {  	s16 =	simm.s32 $0xA80;
	[tilespmem:$0x900] =	vst v7  }
0x126: {  	[tilespmem:s16], [sflag:$0x1] =	stream.indirect_vreg.gather [hbm4b:s1+s4], $0x80, v11, vm0, $0xb8;
	[tilespmem:$0x18A80] =	vst v63  }
0x127: {  	s17 =	simm.s32 $0x1280;
	v7 =	vperm.xlane v9, v6  }
0x128: {  	[tilespmem:s17], [sflag:$0x1] =	stream.indirect_vreg.gather [hbm4b:s8+s4], $0x80, v11, vm0, $0xb8;
	[tilespmem:$0x18A80] =	vst v63  }
0x129: {  	s12 =	simm.s32 $0x1A80;
	v7 =	vadd.s32 v5, v7  }
0x12a: {  	[tilespmem:s12], [sflag:$0x1] =	stream.indirect_vreg.gather [hbm4b:s9+s4], $0x80, v11, vm0, $0xb8;
	[tilespmem:$0x18A80] =	vst v63  }
0x12b: {  	s13 =	simm.s32 $0x2280  }
0x12c: {  	[tilespmem:s13], [sflag:$0x1] =	stream.indirect_vreg.gather [hbm4b:s10+s4], $0x80, v11, vm0, $0xb8;
	[tilespmem:$0x18A80] =	vst v63  }
0x12d: {  	s15 =	simm.s32 $0x4A80  }
0x12e: {  	[tilespmem:s15], [sflag:$0x1] =	stream.indirect_vreg.gather [hbm4b:s1+s4], $0x80, v7, vm0, $0xb8;
	[tilespmem:$0x18A80] =	vst v63  }
0x12f: {  	s16 =	simm.s32 $0x5280  }
0x130: {  	[tilespmem:s16], [sflag:$0x1] =	stream.indirect_vreg.gather [hbm4b:s8+s4], $0x80, v7, vm0, $0xb8;
	[tilespmem:$0x18A80] =	vst v63  }
0x131: {  	s17 =	simm.s32 $0x5A80  }
0x132: {  	[tilespmem:s17], [sflag:$0x1] =	stream.indirect_vreg.gather [hbm4b:s9+s4], $0x80, v7, vm0, $0xb8;
	[tilespmem:$0x18A80] =	vst v63  }
0x133: {  	_ = 	snop  }
0x134: {  	[tilespmem:s18], [sflag:$0x1] =	stream.indirect_vreg.gather [hbm4b:s10+s4], $0x80, v7, vm0, $0xb8;
	[tilespmem:$0x18A80] =	vst v63  }
0x135: {  	v7 =	vld [tilespmem:$0x900];
	_ =	sdelay $0x4  }
0x136: {  	v8 =	vshll.u32 v7, $0x3  }
0x137: {  	v7 =	vand.u32 $0x7, v7;
	v8 =	vand.u32 $0xFFFFFFC0, v8  }
0x138: {  	v7 =	vor.u32 v7, v8  }
0x139: {  	v8 =	vperm.xlane v7, v4;
	_ =	sdelay $0x1  }
0x13a: {  	v8 =	vadd.s32 v5, v8;
	_ =	sdelay $0x4  }
0x13b: {  	[tilespmem:s19], [sflag:$0x1] =	stream.indirect_vreg.gather [hbm4b:s1+s4], $0x80, v8, vm0, $0xb8;
	[tilespmem:$0x18A80] =	vst v63  }
0x13c: {  	v7 =	vperm.xlane v7, v6  }
0x13d: {  	[tilespmem:s20], [sflag:$0x1] =	stream.indirect_vreg.gather [hbm4b:s8+s4], $0x80, v8, vm0, $0xb8;
	[tilespmem:$0x18A80] =	vst v63  }
0x13e: {  	v7 =	vadd.s32 v5, v7  }
0x13f: {  	[tilespmem:s21], [sflag:$0x1] =	stream.indirect_vreg.gather [hbm4b:s9+s4], $0x80, v8, vm0, $0xb8;
	[tilespmem:$0x18A80] =	vst v63  }
0x140: {  	_ = 	snop  }
0x141: {  	[tilespmem:s22], [sflag:$0x1] =	stream.indirect_vreg.gather [hbm4b:s10+s4], $0x80, v8, vm0, $0xb8;
	[tilespmem:$0x18A80] =	vst v63  }
0x142: {  	_ = 	snop  }
0x143: {  	[tilespmem:s23], [sflag:$0x1] =	stream.indirect_vreg.gather [hbm4b:s1+s4], $0x80, v7, vm0, $0xb8;
	[tilespmem:$0x18A80] =	vst v63  }
0x144: {  	_ = 	snop  }
0x145: {  	[tilespmem:s24], [sflag:$0x1] =	stream.indirect_vreg.gather [hbm4b:s8+s4], $0x80, v7, vm0, $0xb8;
	[tilespmem:$0x18A80] =	vst v63  }
0x146: {  	_ = 	snop  }
0x147: {  	[tilespmem:s25], [sflag:$0x1] =	stream.indirect_vreg.gather [hbm4b:s9+s4], $0x80, v7, vm0, $0xb8;
	[tilespmem:$0x18A80] =	vst v63  }
0x148: {  	_ = 	snop  }
0x149: {  	[tilespmem:s26], [sflag:$0x1] =	stream.indirect_vreg.gather [hbm4b:s10+s4], $0x80, v7, vm0, $0xb8;
	[tilespmem:$0x18A80] =	vst v63  }
.LBB2_11:
0x14a: {  	v7 =	vld [tilespmem:s14+$0x80];
	_ =	sdelay $0x4  }
0x14b: {  	(v2sf) =	vpush v7, $0x0;
	_ =	sdelay $0xe  }
0x14c: {  	s6 =	spop (v2sf)  }
0x14d: {  	s6 =	sshra.s32 s6, $0x1  }
0x14e: {  	p0 =	sge.s32 s11, s6  }
.Ltmp10:
0x14f: {  	_ = 	snop;
	(pc) =	sbr.rel @p0 .LBB2_14-.Ltmp10, $1  }
0x150: {  	_ =	sdelay $0x3  }
0x151: {  	_ =	swait.ge [sflag:s28], $0x4000  }
0x152: {  	s6 =	sshll.u32 s29, $0x9;
	s11 =	sshll.u32 s11, $0xC;
	[sflag:s28] =	ssyncset.done $0x0  }
0x153: {  	s12 =	sshll.u32 s30, $0x4;
	s6 =	sand.u32 $0x800, s6;
	[sflag:s28] =	ssyncadd.s32 $0xFFFFC000  }
0x154: {  	p0 =	por $0x1, $0x1;
	s6 =	sadd.s32 s3, s6;
	_ =	swait.ge [sflag:s28], $0x4000  }
0x155: {  	s12 =	sand.u32 $0x70, s12;
	s6 =	sadd.s32 s11, s6;
	[sflag:s28] =	ssyncset.done $0x0  }
0x156: {  	s11 =	simm.s32 $0x0;
	s6 =	sadd.s32 s12, s6;
	[sflag:s28] =	ssyncadd.s32 $0xFFFFC000  }
.LBB2_13:
0x157: {  	s12 =	sshll.u32 s11, $0xE  }
0x158: {  	s15 =	sshll.u32 s11, $0xF;
	s12 =	sand.u32 $0x3FFFC000, s12  }
0x159: {  	s11 =	sadd.s32 s15, s6;
	s13 =	sadd.s32 $0x8A80, s12  }
0x15a: {  	[hbm4b:s11+s5] =	stream.strided.scatter [tilespmem:s13], [sflag:$0x4], $0x400, s2, s5, $0x38;
	[tilespmem:$0x18A80] =	vst v63  }
0x15b: {  	s16 =	sadd.s32 $0x8E80, s12;
	s14 =	sadd.s32 $0x80, s11  }
0x15c: {  	[hbm4b:s14+s5] =	stream.strided.scatter [tilespmem:s16], [sflag:$0x4], $0x400, s2, s5, $0x38;
	[tilespmem:$0x18A80] =	vst v63  }
0x15d: {  	s17 =	sadd.s32 $0x9280, s12;
	s30 =	sadd.s32 $0x100, s11  }
0x15e: {  	[hbm4b:s30+s5] =	stream.strided.scatter [tilespmem:s17], [sflag:$0x4], $0x400, s2, s5, $0x38;
	[tilespmem:$0x18A80] =	vst v63  }
0x15f: {  	s15 =	sadd.s32 $0x9680, s12;
	s16 =	sadd.s32 $0x180, s11  }
0x160: {  	[hbm4b:s16+s5] =	stream.strided.scatter [tilespmem:s15], [sflag:$0x4], $0x400, s2, s5, $0x38;
	[tilespmem:$0x18A80] =	vst v63  }
0x161: {  	s17 =	sadd.s32 $0x9A80, s12;
	s30 =	sadd.s32 $0x200, s11  }
0x162: {  	[hbm4b:s30+s5] =	stream.strided.scatter [tilespmem:s17], [sflag:$0x4], $0x400, s2, s5, $0x38;
	[tilespmem:$0x18A80] =	vst v63  }
0x163: {  	s15 =	sadd.s32 $0x9E80, s12;
	s16 =	sadd.s32 $0x280, s11  }
0x164: {  	[hbm4b:s16+s5] =	stream.strided.scatter [tilespmem:s15], [sflag:$0x4], $0x400, s2, s5, $0x38;
	[tilespmem:$0x18A80] =	vst v63  }
0x165: {  	s17 =	sadd.s32 $0xA280, s12;
	s30 =	sadd.s32 $0x300, s11  }
0x166: {  	[hbm4b:s30+s5] =	stream.strided.scatter [tilespmem:s17], [sflag:$0x4], $0x400, s2, s5, $0x38;
	[tilespmem:$0x18A80] =	vst v63  }
0x167: {  	s15 =	sadd.s32 $0xA680, s12;
	s16 =	sadd.s32 $0x380, s11  }
0x168: {  	[hbm4b:s16+s5] =	stream.strided.scatter [tilespmem:s15], [sflag:$0x4], $0x400, s2, s5, $0x38;
	[tilespmem:$0x18A80] =	vst v63  }
0x169: {  	s17 =	sadd.s32 $0xAA80, s12;
	s30 =	sadd.s32 $0x400, s11  }
0x16a: {  	[hbm4b:s30+s5] =	stream.strided.scatter [tilespmem:s17], [sflag:$0x4], $0x400, s2, s5, $0x38;
	[tilespmem:$0x18A80] =	vst v63  }
0x16b: {  	s15 =	sadd.s32 $0xAE80, s12;
	s16 =	sadd.s32 $0x480, s11  }
0x16c: {  	[hbm4b:s16+s5] =	stream.strided.scatter [tilespmem:s15], [sflag:$0x4], $0x400, s2, s5, $0x38;
	[tilespmem:$0x18A80] =	vst v63  }
0x16d: {  	s17 =	sadd.s32 $0xB280, s12;
	s30 =	sadd.s32 $0x500, s11  }
0x16e: {  	[hbm4b:s30+s5] =	stream.strided.scatter [tilespmem:s17], [sflag:$0x4], $0x400, s2, s5, $0x38;
	[tilespmem:$0x18A80] =	vst v63  }
0x16f: {  	s15 =	sadd.s32 $0xB680, s12;
	s16 =	sadd.s32 $0x580, s11  }
0x170: {  	[hbm4b:s16+s5] =	stream.strided.scatter [tilespmem:s15], [sflag:$0x4], $0x400, s2, s5, $0x38;
	[tilespmem:$0x18A80] =	vst v63  }
0x171: {  	s17 =	sadd.s32 $0xBA80, s12;
	s30 =	sadd.s32 $0x600, s11  }
0x172: {  	[hbm4b:s30+s5] =	stream.strided.scatter [tilespmem:s17], [sflag:$0x4], $0x400, s2, s5, $0x38;
	[tilespmem:$0x18A80] =	vst v63  }
0x173: {  	p1 =	por p0, p0;
	s15 =	sadd.s32 $0xBE80, s12;
	s16 =	sadd.s32 $0x680, s11  }
0x174: {  	[hbm4b:s16+s5] =	stream.strided.scatter [tilespmem:s15], [sflag:$0x4], $0x400, s2, s5, $0x38;
	[tilespmem:$0x18A80] =	vst v63  }
.Ltmp11:
0x175: {  	s17 =	sadd.s32 $0xC280, s12;
	s30 =	sadd.s32 $0x700, s11;
	(pc) =	sbr.rel @p1 .LBB2_13-.Ltmp11, $4  }
0x176: {  	[hbm4b:s30+s5] =	stream.strided.scatter [tilespmem:s17], [sflag:$0x4], $0x400, s2, s5, $0x38;
	[tilespmem:$0x18A80] =	vst v63  }
0x177: {  	s12 =	sadd.s32 $0xC680, s12;
	s11 =	sadd.s32 $0x780, s11  }
0x178: {  	[hbm4b:s11+s5] =	stream.strided.scatter [tilespmem:s12], [sflag:$0x4], $0x400, s2, s5, $0x38;
	[tilespmem:$0x18A80] =	vst v63  }
0x179: {  	p0 =	por $0x0, $0x0;
	s11 =	simm.s32 $0x1  }
.Ltmp12:
0x17a: {  	_ = 	snop;
	(pc) =	sbr.rel .LBB2_16-.Ltmp12, $1  }
0x17b: {  	_ =	sdelay $0x3  }
.LBB2_14:
0x17c: {  	s6 =	sshll.u32 s29, $0x9  }
0x17d: {  	s6 =	sand.u32 $0x800, s6  }
0x17e: {  	s11 =	sshll.u32 s11, $0xC;
	s12 =	sshll.u32 s30, $0x4;
	s6 =	sadd.s32 s3, s6  }
0x17f: {  	s12 =	sand.u32 $0x70, s12;
	s6 =	sadd.s32 s11, s6  }
0x180: {  	p0 =	por $0x1, $0x1;
	s11 =	simm.s32 $0x0;
	s6 =	sadd.s32 s12, s6  }
.LBB2_15:
0x181: {  	s12 =	sshll.u32 s11, $0xE  }
0x182: {  	s15 =	sshll.u32 s11, $0xF;
	s12 =	sand.u32 $0x3FFFC000, s12  }
0x183: {  	s11 =	sadd.s32 s15, s6;
	s13 =	sadd.s32 $0x10A80, s12  }
0x184: {  	[hbm4b:s11+s5] =	stream.strided.scatter [tilespmem:s13], [sflag:$0x4], $0x400, s2, s5, $0x38;
	[tilespmem:$0x18A80] =	vst v63  }
0x185: {  	s16 =	sadd.s32 $0x10E80, s12;
	s14 =	sadd.s32 $0x80, s11  }
0x186: {  	[hbm4b:s14+s5] =	stream.strided.scatter [tilespmem:s16], [sflag:$0x4], $0x400, s2, s5, $0x38;
	[tilespmem:$0x18A80] =	vst v63  }
0x187: {  	s17 =	sadd.s32 $0x11280, s12;
	s30 =	sadd.s32 $0x100, s11  }
0x188: {  	[hbm4b:s30+s5] =	stream.strided.scatter [tilespmem:s17], [sflag:$0x4], $0x400, s2, s5, $0x38;
	[tilespmem:$0x18A80] =	vst v63  }
0x189: {  	s15 =	sadd.s32 $0x11680, s12;
	s16 =	sadd.s32 $0x180, s11  }
0x18a: {  	[hbm4b:s16+s5] =	stream.strided.scatter [tilespmem:s15], [sflag:$0x4], $0x400, s2, s5, $0x38;
	[tilespmem:$0x18A80] =	vst v63  }
0x18b: {  	s17 =	sadd.s32 $0x11A80, s12;
	s30 =	sadd.s32 $0x200, s11  }
0x18c: {  	[hbm4b:s30+s5] =	stream.strided.scatter [tilespmem:s17], [sflag:$0x4], $0x400, s2, s5, $0x38;
	[tilespmem:$0x18A80] =	vst v63  }
0x18d: {  	s15 =	sadd.s32 $0x11E80, s12;
	s16 =	sadd.s32 $0x280, s11  }
0x18e: {  	[hbm4b:s16+s5] =	stream.strided.scatter [tilespmem:s15], [sflag:$0x4], $0x400, s2, s5, $0x38;
	[tilespmem:$0x18A80] =	vst v63  }
0x18f: {  	s17 =	sadd.s32 $0x12280, s12;
	s30 =	sadd.s32 $0x300, s11  }
0x190: {  	[hbm4b:s30+s5] =	stream.strided.scatter [tilespmem:s17], [sflag:$0x4], $0x400, s2, s5, $0x38;
	[tilespmem:$0x18A80] =	vst v63  }
0x191: {  	s15 =	sadd.s32 $0x12680, s12;
	s16 =	sadd.s32 $0x380, s11  }
0x192: {  	[hbm4b:s16+s5] =	stream.strided.scatter [tilespmem:s15], [sflag:$0x4], $0x400, s2, s5, $0x38;
	[tilespmem:$0x18A80] =	vst v63  }
0x193: {  	s17 =	sadd.s32 $0x12A80, s12;
	s30 =	sadd.s32 $0x400, s11  }
0x194: {  	[hbm4b:s30+s5] =	stream.strided.scatter [tilespmem:s17], [sflag:$0x4], $0x400, s2, s5, $0x38;
	[tilespmem:$0x18A80] =	vst v63  }
0x195: {  	s15 =	sadd.s32 $0x12E80, s12;
	s16 =	sadd.s32 $0x480, s11  }
0x196: {  	[hbm4b:s16+s5] =	stream.strided.scatter [tilespmem:s15], [sflag:$0x4], $0x400, s2, s5, $0x38;
	[tilespmem:$0x18A80] =	vst v63  }
0x197: {  	s17 =	sadd.s32 $0x13280, s12;
	s30 =	sadd.s32 $0x500, s11  }
0x198: {  	[hbm4b:s30+s5] =	stream.strided.scatter [tilespmem:s17], [sflag:$0x4], $0x400, s2, s5, $0x38;
	[tilespmem:$0x18A80] =	vst v63  }
0x199: {  	s15 =	sadd.s32 $0x13680, s12;
	s16 =	sadd.s32 $0x580, s11  }
0x19a: {  	[hbm4b:s16+s5] =	stream.strided.scatter [tilespmem:s15], [sflag:$0x4], $0x400, s2, s5, $0x38;
	[tilespmem:$0x18A80] =	vst v63  }
0x19b: {  	s17 =	sadd.s32 $0x13A80, s12;
	s30 =	sadd.s32 $0x600, s11  }
0x19c: {  	[hbm4b:s30+s5] =	stream.strided.scatter [tilespmem:s17], [sflag:$0x4], $0x400, s2, s5, $0x38;
	[tilespmem:$0x18A80] =	vst v63  }
0x19d: {  	p1 =	por p0, p0;
	s15 =	sadd.s32 $0x13E80, s12;
	s16 =	sadd.s32 $0x680, s11  }
0x19e: {  	[hbm4b:s16+s5] =	stream.strided.scatter [tilespmem:s15], [sflag:$0x4], $0x400, s2, s5, $0x38;
	[tilespmem:$0x18A80] =	vst v63  }
.Ltmp13:
0x19f: {  	s17 =	sadd.s32 $0x14280, s12;
	s30 =	sadd.s32 $0x700, s11;
	(pc) =	sbr.rel @p1 .LBB2_15-.Ltmp13, $4  }
0x1a0: {  	[hbm4b:s30+s5] =	stream.strided.scatter [tilespmem:s17], [sflag:$0x4], $0x400, s2, s5, $0x38;
	[tilespmem:$0x18A80] =	vst v63  }
0x1a1: {  	s12 =	sadd.s32 $0x14680, s12;
	s11 =	sadd.s32 $0x780, s11  }
0x1a2: {  	[hbm4b:s11+s5] =	stream.strided.scatter [tilespmem:s12], [sflag:$0x4], $0x400, s2, s5, $0x38;
	[tilespmem:$0x18A80] =	vst v63  }
0x1a3: {  	p0 =	por $0x0, $0x0;
	s11 =	simm.s32 $0x1  }
.Ltmp14:
0x1a4: {  	_ = 	snop;
	(pc) =	sbr.rel .LBB2_16-.Ltmp14, $1  }
0x1a5: {  	_ =	sdelay $0x3  }
.LBB2_18:
0x1a6: {  	_ =	sfence.sel $0x180000  }
0x1a7: {  	[bflag:$0x0] =	sbarrier.arrive $0xFFFF  }
0x1a8: {  	_ =	strace $0x90000047  }
0x1a9: {  	s0 =	stileid.u32;
	[bflag:$0x2] =	sbarrier.arrive $0xFFFF  }
0x1aa: {  	p0 =	sne.s32 s0, $0x0;
	s0 =	rddreg [dreg:$0x4]  }
0x1ab: {  	s0 =	sadd.s32 @!p0 $0x100000, s0  }
0x1ac: {  	[sflag:s0] =	ssyncadd.tile.s32 @!p0 $0x1;
	_ =	shalt  }
.Lfunc_end2:
_tile_overlayer_lowered:
.L_overlay_start_2:
0x1ad: {  	(tag) =	ssettag $0x2  }
0x1ae: {  	s0 =	rddreg [dreg:$0x0];
	s2 =	stileid.u32  }
0x1af: {  	s1 =	rddreg [dreg:$0x1];
	p0 =	sne.s32 s2, $0x0  }
0x1b0: {  	s3 =	rddreg [dreg:$0x2];
	[bflag:$0x3] =	sbarrier.arrive $0xFFFF;
	s2 =	simm.s32 @!p0 $0x1C05  }
0x1b1: {  	[timem:s3], [sflag:s2] =	dma.local @!p0 [hbm:s0], s1  }
0x1b2: {  	s0 =	simm.s32 @!p0 $0x5  }
0x1b3: {  	_ =	swait.ge @!p0 [sflag:s0], s1  }
0x1b4: {  	s1 =	ssub.s32 @!p0 $0x0, s1;
	[sflag:s0] =	ssyncset.done @!p0 $0x0  }
0x1b5: {  	[sflag:s0] =	ssyncadd.s32 @!p0 s1  }
0x1b6: {  	[bflag:$0x3] =	sbarrier.arrive $0xFFFF  }
0x1b7: {  	_ =	shalt  }

</sc_bundles>
